<compile_context>
chip_gen: v7x
topology: tpu7x:2x2x1
jax: 0.10.2.dev20260603
libtpu: 0.0.44.dev20260713+nightly
codegen_flags: <defaults>
</compile_context>

<pallas_src>
import functools

import jax
import jax.numpy as jnp
from jax import lax
from jax.experimental import pallas as pl
from jax.experimental.pallas import tpu as pltpu
from jax.experimental.pallas import tpu_sc as plsc

_VOCAB = 100000
_EMBED = 64
_SEQ = 200
_BATCH = 1024

_NC, _NS, _L = 2, 16, 16
_NW = _NC * _NS
_ROWS = _BATCH // _NW
_NBUF = 4
_KG = _EMBED // _L


def _pe_table():
    pos = jnp.arange(_SEQ, dtype=jnp.float32)[:, None]
    i_even = jnp.arange(0, _EMBED, 2, dtype=jnp.float32)
    sin_part = jnp.sin(pos / jnp.power(10000.0, 2.0 * i_even / _EMBED))
    cos_part = jnp.cos(pos / jnp.power(10000.0, 2.0 * (i_even + 1.0) / _EMBED))
    pe = jnp.zeros((_SEQ, _EMBED), dtype=jnp.float32)
    pe = pe.at[:, 0::2].set(sin_part)
    pe = pe.at[:, 1::2].set(cos_part)
    return pe


@functools.partial(
    pl.kernel,
    out_type=jax.ShapeDtypeStruct((_BATCH, _SEQ, _EMBED), jnp.float32),
    mesh=plsc.VectorSubcoreMesh(
        core_axis_name="c", subcore_axis_name="s",
        num_cores=_NC, num_subcores=_NS,
    ),
    scratch_types=[
        pltpu.VMEM((_ROWS, _SEQ), jnp.int32),
        pltpu.VMEM((_SEQ, _EMBED), jnp.float32),
        pltpu.VMEM((_NBUF * _SEQ, _EMBED), jnp.float32),
    ] + [pltpu.SemaphoreType.DMA] * (2 * _NBUF),
    compiler_params=pltpu.CompilerParams(use_tc_tiling_on_sc=False),
)
def _embed(table_hbm, idx_hbm, pe_hbm, out_hbm, idx_v, pe_v, buf_v, *sems):
    gsems = sems[:_NBUF]
    ssems = sems[_NBUF:]
    wid = lax.axis_index("s") * _NC + lax.axis_index("c")
    row0 = wid * _ROWS

    pltpu.sync_copy(idx_hbm.at[pl.ds(row0, _ROWS)], idx_v)
    pltpu.sync_copy(pe_hbm, pe_v)

    def fire_gather(c, b):
        pltpu.async_copy(
            table_hbm.at[idx_v.at[c]],
            buf_v.at[pl.ds(b * _SEQ, _SEQ)], gsems[b])

    def wait_gather(b):
        pltpu.make_async_copy(
            table_hbm.at[idx_v.at[0]],
            buf_v.at[pl.ds(b * _SEQ, _SEQ)], gsems[b]).wait()

    def fire_store(c, b):
        pltpu.async_copy(
            buf_v.at[pl.ds(b * _SEQ, _SEQ)], out_hbm.at[row0 + c], ssems[b])

    def wait_store(b):
        pltpu.make_async_copy(
            buf_v.at[pl.ds(b * _SEQ, _SEQ)], out_hbm.at[0], ssems[b]).wait()

    def add_pe(b):
        @plsc.parallel_loop(0, _SEQ, unroll=4)
        def _(r):
            for k in range(_KG):
                vec = pe_v[r, pl.ds(k * _L, _L)]
                plsc.addupdate(buf_v.at[b * _SEQ + r, pl.ds(k * _L, _L)], vec)

    for b in range(_NBUF):
        fire_gather(b, b)

    @pl.loop(0, _ROWS // _NBUF)
    def _(g):
        for b in range(_NBUF):
            c = g * _NBUF + b
            wait_gather(b)
            add_pe(b)
            fire_store(c, b)

            @pl.when(c < _ROWS - _NBUF)
            def _():
                wait_store(b)
                fire_gather(c + _NBUF, b)

    for b in range(_NBUF):
        wait_store(b)


def kernel(token_input_ids, embedding_table):
    return _embed(embedding_table, token_input_ids, _pe_table())

# --- scband reference (transcript-rebuilt; emitter-appended) ---
"""Pipeline reference for scband-token-embedder-89154931130641 (READ-ONLY COPY).

The authoritative reference and input builder live on the scoring server;
editing this copy changes nothing except your own understanding.
"""

import jax, jax.numpy as jnp
import numpy as np

VOCAB = 100000
EMBED = 64
SEQ = 200
BATCH = 1024


def _position_encoding(seq_len, d):
    # Faithful to TokenPositionEncoder:
    #   pe[pos, i]   = sin(pos / 10000**(2*i/d))       for even i
    #   pe[pos, i+1] = cos(pos / 10000**(2*(i+1)/d))   for odd  i+1
    pos = jnp.arange(seq_len, dtype=jnp.float32)[:, None]
    i_even = jnp.arange(0, d, 2, dtype=jnp.float32)
    sin_part = jnp.sin(pos / jnp.power(10000.0, 2.0 * i_even / d))
    cos_part = jnp.cos(pos / jnp.power(10000.0, 2.0 * (i_even + 1.0) / d))
    pe = jnp.zeros((seq_len, d), dtype=jnp.float32)
    pe = pe.at[:, 0::2].set(sin_part)
    pe = pe.at[:, 1::2].set(cos_part)
    return pe[None, :, :]  # [1, seq_len, d]


def setup_inputs(seed: int = 0) -> dict:
    key = jax.random.key(seed)
    k1, k2 = jax.random.split(key)
    token_input_ids = jax.random.randint(k1, (BATCH, SEQ), 0, VOCAB, dtype=jnp.int32)
    # Learned parameter: embedding table (torch.nn.Embedding default init ~ N(0,1))
    embedding_table = jax.random.normal(k2, (VOCAB, EMBED), dtype=jnp.float32)
    return {"token_input_ids": token_input_ids, "embedding_table": embedding_table}


def reference(token_input_ids, embedding_table):
    # embedding lookup (gather)
    embeddings = jnp.take(embedding_table, token_input_ids, axis=0)  # [B, L, D]
    # dropout is identity at inference (eval mode)
    pe = _position_encoding(SEQ, EMBED)
    return embeddings + pe[:, : embeddings.shape[1]]

if __name__ == "__main__":
    import jax
    _d = setup_inputs()
    print(jax.jit(kernel)(*tuple(_d.values())))

</pallas_src>

<mosaic_0001>
#map = affine_map<(d0, d1) -> (0, 0)>
#map1 = affine_map<(d0, d1) -> (0, 0, 0)>
module attributes {stable_mosaic.version = 14 : i64} {
  func.func @_embed(%arg0: i32, %arg1: i32, %arg2: memref<100000x64xf32, #tpu.memory_space<hbm>>, %arg3: memref<1024x200xi32, #tpu.memory_space<hbm>>, %arg4: memref<200x64xf32, #tpu.memory_space<hbm>>, %arg5: memref<1024x200x64xf32, #tpu.memory_space<hbm>>, %arg6: memref<32x200xi32, #tpu.memory_space<vmem>>, %arg7: memref<200x64xf32, #tpu.memory_space<vmem>>, %arg8: memref<800x64xf32, #tpu.memory_space<vmem>>, %arg9: memref<!tpu.dma_semaphore, #tpu.memory_space<semaphore_mem>>, %arg10: memref<!tpu.dma_semaphore, #tpu.memory_space<semaphore_mem>>, %arg11: memref<!tpu.dma_semaphore, #tpu.memory_space<semaphore_mem>>, %arg12: memref<!tpu.dma_semaphore, #tpu.memory_space<semaphore_mem>>, %arg13: memref<!tpu.dma_semaphore, #tpu.memory_space<semaphore_mem>>, %arg14: memref<!tpu.dma_semaphore, #tpu.memory_space<semaphore_mem>>, %arg15: memref<!tpu.dma_semaphore, #tpu.memory_space<semaphore_mem>>, %arg16: memref<!tpu.dma_semaphore, #tpu.memory_space<semaphore_mem>>) attributes {dimension_semantics = [#tpu.dimension_semantics<core_parallel>, #tpu.dimension_semantics<subcore_parallel>], iteration_bounds = array<i64: 2, 16>, scalar_prefetch = 0 : i64, scratch_operands = 11 : i64, tpu.core_type = #tpu.core_type<sc_vector_subcore>, window_params = [{transform_indices = #map}, {transform_indices = #map}, {transform_indices = #map}, {transform_indices = #map1}]} {
    %mul3A = arith.constant 2 : i32
    %mul3A_0 = arith.muli %arg1, %mul3A : i32
    %add3A = arith.addi %mul3A_0, %arg0 : i32
    %mul3A_1 = arith.constant 32 : i32
    %mul3A_2 = arith.muli %add3A, %mul3A_1 : i32
    "tpu.region"() ({
      %run_scoped3A = tpu.sem_alloc : memref<!tpu.dma_semaphore, #tpu.memory_space<semaphore_mem>>
      %dma_start3A_105 = arith.constant 0 : i32
      %dma_start3A_106 = tpu.memref_slice %arg3[%mul3A_2, %dma_start3A_105] : memref<1024x200xi32, #tpu.memory_space<hbm>> -> memref<32x200xi32, #tpu.memory_space<hbm>>
      %dma_start3A_107 = arith.constant 0 : i32
      %dma_start3A_108 = tpu.memref_slice %arg3[%mul3A_2, %dma_start3A_107] : memref<1024x200xi32, #tpu.memory_space<hbm>> -> memref<32x200xi32, #tpu.memory_space<hbm>>
      tpu.enqueue_dma source(%dma_start3A_108 : memref<32x200xi32, #tpu.memory_space<hbm>>) target(%arg6 : memref<32x200xi32, #tpu.memory_space<vmem>>) target_semaphore(%run_scoped3A : memref<!tpu.dma_semaphore, #tpu.memory_space<semaphore_mem>>)
      %dma_wait3A_109 = arith.constant 0 : i32
      %dma_wait3A_110 = tpu.memref_slice %arg3[%mul3A_2, %dma_wait3A_109] : memref<1024x200xi32, #tpu.memory_space<hbm>> -> memref<32x200xi32, #tpu.memory_space<hbm>>
      %dma_wait3A_111 = arith.constant 0 : i32
      %dma_wait3A_112 = tpu.memref_slice %arg3[%mul3A_2, %dma_wait3A_111] : memref<1024x200xi32, #tpu.memory_space<hbm>> -> memref<32x200xi32, #tpu.memory_space<hbm>>
      tpu.wait_dma2 semaphore(%run_scoped3A : memref<!tpu.dma_semaphore, #tpu.memory_space<semaphore_mem>>) src(%dma_wait3A_112 : memref<32x200xi32, #tpu.memory_space<hbm>>) dst(%arg6 : memref<32x200xi32, #tpu.memory_space<vmem>>)
      tpu.yield
    }) : () -> ()
    "tpu.region"() ({
      %run_scoped3A = tpu.sem_alloc : memref<!tpu.dma_semaphore, #tpu.memory_space<semaphore_mem>>
      tpu.enqueue_dma source(%arg4 : memref<200x64xf32, #tpu.memory_space<hbm>>) target(%arg7 : memref<200x64xf32, #tpu.memory_space<vmem>>) target_semaphore(%run_scoped3A : memref<!tpu.dma_semaphore, #tpu.memory_space<semaphore_mem>>)
      tpu.wait_dma2 semaphore(%run_scoped3A : memref<!tpu.dma_semaphore, #tpu.memory_space<semaphore_mem>>) src(%arg4 : memref<200x64xf32, #tpu.memory_space<hbm>>) dst(%arg7 : memref<200x64xf32, #tpu.memory_space<vmem>>)
      tpu.yield
    }) : () -> ()
    %dma_start3A = arith.constant 0 : i32
    %dma_start3A_3 = arith.constant 0 : i32
    %dma_start3A_4 = arith.constant 0 : i32
    %dma_start3A_5 = tpu.memref_slice %arg8[%dma_start3A_3, %dma_start3A_4] : memref<800x64xf32, #tpu.memory_space<vmem>> -> memref<200x64xf32, #tpu.memory_space<vmem>>
    %dma_start3A_6 = arith.constant 0 : i32
    %dma_start3A_7 = tpu.memref_slice %arg6[%dma_start3A, %dma_start3A_6] : memref<32x200xi32, #tpu.memory_space<vmem>> -> memref<1x200xi32, #tpu.memory_space<vmem>>
    %dma_start3A_8 = tpu.memref_squeeze %dma_start3A_7 : memref<1x200xi32, #tpu.memory_space<vmem>> -> memref<200xi32, #tpu.memory_space<vmem>>
    %dma_start3A_9 = arith.constant 0 : i32
    %dma_start3A_10 = arith.constant 0 : i32
    %dma_start3A_11 = tpu.memref_slice %arg2[%dma_start3A_9, %dma_start3A_10] : memref<100000x64xf32, #tpu.memory_space<hbm>> -> memref<100000x64xf32, #tpu.memory_space<hbm>>
    tpu.enqueue_indirect_dma source(%dma_start3A_11 : memref<100000x64xf32, #tpu.memory_space<hbm>>) target(%dma_start3A_5 : memref<200x64xf32, #tpu.memory_space<vmem>>) offsets(%dma_start3A_8 : memref<200xi32, #tpu.memory_space<vmem>>) semaphore(%arg9 : memref<!tpu.dma_semaphore, #tpu.memory_space<semaphore_mem>>)
    %dma_start3A_12 = arith.constant 1 : i32
    %dma_start3A_13 = arith.constant 200 : i32
    %dma_start3A_14 = arith.constant 0 : i32
    %dma_start3A_15 = tpu.memref_slice %arg8[%dma_start3A_13, %dma_start3A_14] : memref<800x64xf32, #tpu.memory_space<vmem>> -> memref<200x64xf32, #tpu.memory_space<vmem>>
    %dma_start3A_16 = arith.constant 0 : i32
    %dma_start3A_17 = tpu.memref_slice %arg6[%dma_start3A_12, %dma_start3A_16] : memref<32x200xi32, #tpu.memory_space<vmem>> -> memref<1x200xi32, #tpu.memory_space<vmem>>
    %dma_start3A_18 = tpu.memref_squeeze %dma_start3A_17 : memref<1x200xi32, #tpu.memory_space<vmem>> -> memref<200xi32, #tpu.memory_space<vmem>>
    %dma_start3A_19 = arith.constant 0 : i32
    %dma_start3A_20 = arith.constant 0 : i32
    %dma_start3A_21 = tpu.memref_slice %arg2[%dma_start3A_19, %dma_start3A_20] : memref<100000x64xf32, #tpu.memory_space<hbm>> -> memref<100000x64xf32, #tpu.memory_space<hbm>>
    tpu.enqueue_indirect_dma source(%dma_start3A_21 : memref<100000x64xf32, #tpu.memory_space<hbm>>) target(%dma_start3A_15 : memref<200x64xf32, #tpu.memory_space<vmem>>) offsets(%dma_start3A_18 : memref<200xi32, #tpu.memory_space<vmem>>) semaphore(%arg10 : memref<!tpu.dma_semaphore, #tpu.memory_space<semaphore_mem>>)
    %dma_start3A_22 = arith.constant 2 : i32
    %dma_start3A_23 = arith.constant 400 : i32
    %dma_start3A_24 = arith.constant 0 : i32
    %dma_start3A_25 = tpu.memref_slice %arg8[%dma_start3A_23, %dma_start3A_24] : memref<800x64xf32, #tpu.memory_space<vmem>> -> memref<200x64xf32, #tpu.memory_space<vmem>>
    %dma_start3A_26 = arith.constant 0 : i32
    %dma_start3A_27 = tpu.memref_slice %arg6[%dma_start3A_22, %dma_start3A_26] : memref<32x200xi32, #tpu.memory_space<vmem>> -> memref<1x200xi32, #tpu.memory_space<vmem>>
    %dma_start3A_28 = tpu.memref_squeeze %dma_start3A_27 : memref<1x200xi32, #tpu.memory_space<vmem>> -> memref<200xi32, #tpu.memory_space<vmem>>
    %dma_start3A_29 = arith.constant 0 : i32
    %dma_start3A_30 = arith.constant 0 : i32
    %dma_start3A_31 = tpu.memref_slice %arg2[%dma_start3A_29, %dma_start3A_30] : memref<100000x64xf32, #tpu.memory_space<hbm>> -> memref<100000x64xf32, #tpu.memory_space<hbm>>
    tpu.enqueue_indirect_dma source(%dma_start3A_31 : memref<100000x64xf32, #tpu.memory_space<hbm>>) target(%dma_start3A_25 : memref<200x64xf32, #tpu.memory_space<vmem>>) offsets(%dma_start3A_28 : memref<200xi32, #tpu.memory_space<vmem>>) semaphore(%arg11 : memref<!tpu.dma_semaphore, #tpu.memory_space<semaphore_mem>>)
    %dma_start3A_32 = arith.constant 3 : i32
    %dma_start3A_33 = arith.constant 600 : i32
    %dma_start3A_34 = arith.constant 0 : i32
    %dma_start3A_35 = tpu.memref_slice %arg8[%dma_start3A_33, %dma_start3A_34] : memref<800x64xf32, #tpu.memory_space<vmem>> -> memref<200x64xf32, #tpu.memory_space<vmem>>
    %dma_start3A_36 = arith.constant 0 : i32
    %dma_start3A_37 = tpu.memref_slice %arg6[%dma_start3A_32, %dma_start3A_36] : memref<32x200xi32, #tpu.memory_space<vmem>> -> memref<1x200xi32, #tpu.memory_space<vmem>>
    %dma_start3A_38 = tpu.memref_squeeze %dma_start3A_37 : memref<1x200xi32, #tpu.memory_space<vmem>> -> memref<200xi32, #tpu.memory_space<vmem>>
    %dma_start3A_39 = arith.constant 0 : i32
    %dma_start3A_40 = arith.constant 0 : i32
    %dma_start3A_41 = tpu.memref_slice %arg2[%dma_start3A_39, %dma_start3A_40] : memref<100000x64xf32, #tpu.memory_space<hbm>> -> memref<100000x64xf32, #tpu.memory_space<hbm>>
    tpu.enqueue_indirect_dma source(%dma_start3A_41 : memref<100000x64xf32, #tpu.memory_space<hbm>>) target(%dma_start3A_35 : memref<200x64xf32, #tpu.memory_space<vmem>>) offsets(%dma_start3A_38 : memref<200xi32, #tpu.memory_space<vmem>>) semaphore(%arg12 : memref<!tpu.dma_semaphore, #tpu.memory_space<semaphore_mem>>)
    %scan3A = arith.constant 0 : i32
    %scan3A_42 = arith.constant 8 : i32
    %scan3A_43 = arith.addi %scan3A, %scan3A_42 : i32
    %scan3A_44 = arith.constant 1 : i32
    scf.for %scan3A_105 = %scan3A to %scan3A_43 step %scan3A_44  : i32 {
      %mul3A_106 = arith.constant 1 : i32
      %mul3A_107 = arith.muli %scan3A_105, %mul3A_106 : i32
      %add3A_108 = arith.constant 0 : i32
      %add3A_109 = arith.addi %add3A_108, %mul3A_107 : i32
      %mul3A_110 = arith.constant 4 : i32
      %mul3A_111 = arith.muli %add3A_109, %mul3A_110 : i32
      %add3A_112 = arith.constant 0 : i32
      %add3A_113 = arith.addi %mul3A_111, %add3A_112 : i32
      %dma_wait3A_114 = arith.constant 0 : i32
      %dma_wait3A_115 = arith.constant 0 : i32
      %dma_wait3A_116 = arith.constant 0 : i32
      %dma_wait3A_117 = tpu.memref_slice %arg8[%dma_wait3A_115, %dma_wait3A_116] : memref<800x64xf32, #tpu.memory_space<vmem>> -> memref<200x64xf32, #tpu.memory_space<vmem>>
      %dma_wait3A_118 = arith.constant 0 : i32
      %dma_wait3A_119 = tpu.memref_slice %arg6[%dma_wait3A_114, %dma_wait3A_118] : memref<32x200xi32, #tpu.memory_space<vmem>> -> memref<1x200xi32, #tpu.memory_space<vmem>>
      %dma_wait3A_120 = tpu.memref_squeeze %dma_wait3A_119 : memref<1x200xi32, #tpu.memory_space<vmem>> -> memref<200xi32, #tpu.memory_space<vmem>>
      %dma_wait3A_121 = arith.constant 0 : i32
      %dma_wait3A_122 = arith.constant 0 : i32
      %dma_wait3A_123 = tpu.memref_slice %arg2[%dma_wait3A_121, %dma_wait3A_122] : memref<100000x64xf32, #tpu.memory_space<hbm>> -> memref<100000x64xf32, #tpu.memory_space<hbm>>
      tpu.wait_indirect_dma semaphore(%arg9 : memref<!tpu.dma_semaphore, #tpu.memory_space<semaphore_mem>>) src(%dma_wait3A_123 : memref<100000x64xf32, #tpu.memory_space<hbm>>) dst(%dma_wait3A_117 : memref<200x64xf32, #tpu.memory_space<vmem>>)
      %parallel_loop3A = arith.constant 0 : i32
      %parallel_loop3A_124 = arith.constant 200 : i32
      %parallel_loop3A_125 = arith.constant 1 : i32
      scf.for %parallel_loop3A_254 = %parallel_loop3A to %parallel_loop3A_124 step %parallel_loop3A_125  : i32 {
        %parallel_loop3A_255 = arith.index_cast %parallel_loop3A_254 : i32 to index
        %parallel_loop3A_256 = arith.constant 0 : index
        %parallel_loop3A_257 = tpu.vector_load %arg7[%parallel_loop3A_255, %parallel_loop3A_256] {strides = array<i32>} : memref<200x64xf32, #tpu.memory_space<vmem>>, vector<1x16xf32>,
        %parallel_loop3A_258 = vector.shape_cast %parallel_loop3A_257 : vector<1x16xf32> to vector<16xf32>
        %parallel_loop3A_259 = arith.constant 0 : i32
        %parallel_loop3A_260 = arith.addi %parallel_loop3A_259, %parallel_loop3A_254 : i32
        %parallel_loop3A_261 = arith.index_cast %parallel_loop3A_260 : i32 to index
        %parallel_loop3A_262 = arith.constant 0 : index
        %parallel_loop3A_263 = tpu.vector_load %arg8[%parallel_loop3A_261, %parallel_loop3A_262] {strides = array<i32>} : memref<800x64xf32, #tpu.memory_space<vmem>>, vector<1x16xf32>,
        %parallel_loop3A_264 = vector.shape_cast %parallel_loop3A_263 : vector<1x16xf32> to vector<16xf32>
        %parallel_loop3A_265 = vector.shape_cast %parallel_loop3A_258 : vector<16xf32> to vector<1x16xf32>
        tpu.vector_store %arg8[%parallel_loop3A_261, %parallel_loop3A_262], %parallel_loop3A_265 {add = true, strides = array<i32>} : memref<800x64xf32, #tpu.memory_space<vmem>>, vector<1x16xf32>,
        %parallel_loop3A_266 = arith.index_cast %parallel_loop3A_254 : i32 to index
        %parallel_loop3A_267 = arith.constant 16 : index
        %parallel_loop3A_268 = tpu.vector_load %arg7[%parallel_loop3A_266, %parallel_loop3A_267] {strides = array<i32>} : memref<200x64xf32, #tpu.memory_space<vmem>>, vector<1x16xf32>,
        %parallel_loop3A_269 = vector.shape_cast %parallel_loop3A_268 : vector<1x16xf32> to vector<16xf32>
        %parallel_loop3A_270 = arith.constant 0 : i32
        %parallel_loop3A_271 = arith.addi %parallel_loop3A_270, %parallel_loop3A_254 : i32
        %parallel_loop3A_272 = arith.index_cast %parallel_loop3A_271 : i32 to index
        %parallel_loop3A_273 = arith.constant 16 : index
        %parallel_loop3A_274 = tpu.vector_load %arg8[%parallel_loop3A_272, %parallel_loop3A_273] {strides = array<i32>} : memref<800x64xf32, #tpu.memory_space<vmem>>, vector<1x16xf32>,
        %parallel_loop3A_275 = vector.shape_cast %parallel_loop3A_274 : vector<1x16xf32> to vector<16xf32>
        %parallel_loop3A_276 = vector.shape_cast %parallel_loop3A_269 : vector<16xf32> to vector<1x16xf32>
        tpu.vector_store %arg8[%parallel_loop3A_272, %parallel_loop3A_273], %parallel_loop3A_276 {add = true, strides = array<i32>} : memref<800x64xf32, #tpu.memory_space<vmem>>, vector<1x16xf32>,
        %parallel_loop3A_277 = arith.index_cast %parallel_loop3A_254 : i32 to index
        %parallel_loop3A_278 = arith.constant 32 : index
        %parallel_loop3A_279 = tpu.vector_load %arg7[%parallel_loop3A_277, %parallel_loop3A_278] {strides = array<i32>} : memref<200x64xf32, #tpu.memory_space<vmem>>, vector<1x16xf32>,
        %parallel_loop3A_280 = vector.shape_cast %parallel_loop3A_279 : vector<1x16xf32> to vector<16xf32>
        %parallel_loop3A_281 = arith.constant 0 : i32
        %parallel_loop3A_282 = arith.addi %parallel_loop3A_281, %parallel_loop3A_254 : i32
        %parallel_loop3A_283 = arith.index_cast %parallel_loop3A_282 : i32 to index
        %parallel_loop3A_284 = arith.constant 32 : index
        %parallel_loop3A_285 = tpu.vector_load %arg8[%parallel_loop3A_283, %parallel_loop3A_284] {strides = array<i32>} : memref<800x64xf32, #tpu.memory_space<vmem>>, vector<1x16xf32>,
        %parallel_loop3A_286 = vector.shape_cast %parallel_loop3A_285 : vector<1x16xf32> to vector<16xf32>
        %parallel_loop3A_287 = vector.shape_cast %parallel_loop3A_280 : vector<16xf32> to vector<1x16xf32>
        tpu.vector_store %arg8[%parallel_loop3A_283, %parallel_loop3A_284], %parallel_loop3A_287 {add = true, strides = array<i32>} : memref<800x64xf32, #tpu.memory_space<vmem>>, vector<1x16xf32>,
        %parallel_loop3A_288 = arith.index_cast %parallel_loop3A_254 : i32 to index
        %parallel_loop3A_289 = arith.constant 48 : index
        %parallel_loop3A_290 = tpu.vector_load %arg7[%parallel_loop3A_288, %parallel_loop3A_289] {strides = array<i32>} : memref<200x64xf32, #tpu.memory_space<vmem>>, vector<1x16xf32>,
        %parallel_loop3A_291 = vector.shape_cast %parallel_loop3A_290 : vector<1x16xf32> to vector<16xf32>
        %parallel_loop3A_292 = arith.constant 0 : i32
        %parallel_loop3A_293 = arith.addi %parallel_loop3A_292, %parallel_loop3A_254 : i32
        %parallel_loop3A_294 = arith.index_cast %parallel_loop3A_293 : i32 to index
        %parallel_loop3A_295 = arith.constant 48 : index
        %parallel_loop3A_296 = tpu.vector_load %arg8[%parallel_loop3A_294, %parallel_loop3A_295] {strides = array<i32>} : memref<800x64xf32, #tpu.memory_space<vmem>>, vector<1x16xf32>,
        %parallel_loop3A_297 = vector.shape_cast %parallel_loop3A_296 : vector<1x16xf32> to vector<16xf32>
        %parallel_loop3A_298 = vector.shape_cast %parallel_loop3A_291 : vector<16xf32> to vector<1x16xf32>
        tpu.vector_store %arg8[%parallel_loop3A_294, %parallel_loop3A_295], %parallel_loop3A_298 {add = true, strides = array<i32>} : memref<800x64xf32, #tpu.memory_space<vmem>>, vector<1x16xf32>,
      } {sc.loop_unroll_factor = 4 : i64, sc.parallel_access}
      %add3A_126 = arith.addi %mul3A_2, %add3A_113 : i32
      %dma_start3A_127 = arith.constant 0 : i32
      %dma_start3A_128 = arith.constant 0 : i32
      %dma_start3A_129 = tpu.memref_slice %arg8[%dma_start3A_127, %dma_start3A_128] : memref<800x64xf32, #tpu.memory_space<vmem>> -> memref<200x64xf32, #tpu.memory_space<vmem>>
      %dma_start3A_130 = arith.constant 0 : i32
      %dma_start3A_131 = arith.constant 0 : i32
      %dma_start3A_132 = tpu.memref_slice %arg5[%add3A_126, %dma_start3A_130, %dma_start3A_131] : memref<1024x200x64xf32, #tpu.memory_space<hbm>> -> memref<1x200x64xf32, #tpu.memory_space<hbm>>
      %dma_start3A_133 = tpu.memref_squeeze %dma_start3A_132 : memref<1x200x64xf32, #tpu.memory_space<hbm>> -> memref<200x64xf32, #tpu.memory_space<hbm>>
      %dma_start3A_134 = arith.constant 0 : i32
      %dma_start3A_135 = arith.constant 0 : i32
      %dma_start3A_136 = tpu.memref_slice %arg5[%add3A_126, %dma_start3A_134, %dma_start3A_135] : memref<1024x200x64xf32, #tpu.memory_space<hbm>> -> memref<1x200x64xf32, #tpu.memory_space<hbm>>
      %dma_start3A_137 = tpu.memref_squeeze %dma_start3A_136 : memref<1x200x64xf32, #tpu.memory_space<hbm>> -> memref<200x64xf32, #tpu.memory_space<hbm>>
      %dma_start3A_138 = arith.constant 0 : i32
      %dma_start3A_139 = arith.constant 0 : i32
      %dma_start3A_140 = tpu.memref_slice %arg8[%dma_start3A_138, %dma_start3A_139] : memref<800x64xf32, #tpu.memory_space<vmem>> -> memref<200x64xf32, #tpu.memory_space<vmem>>
      tpu.enqueue_dma source(%dma_start3A_140 : memref<200x64xf32, #tpu.memory_space<vmem>>) target(%dma_start3A_137 : memref<200x64xf32, #tpu.memory_space<hbm>>) target_semaphore(%arg13 : memref<!tpu.dma_semaphore, #tpu.memory_space<semaphore_mem>>)
      %lt3A = arith.constant 28 : i32
      %lt3A_141 = arith.cmpi slt, %add3A_113, %lt3A : i32
      %convert_element_type3A = arith.extui %lt3A_141 : i1 to i32
      %cond3A = arith.constant 0 : i32
      %cond3A_142 = arith.cmpi ne, %convert_element_type3A, %cond3A : i32
      scf.if %cond3A_142 {
        %dma_wait3A_254 = arith.constant 0 : i32
        %dma_wait3A_255 = arith.constant 0 : i32
        %dma_wait3A_256 = arith.constant 0 : i32
        %dma_wait3A_257 = tpu.memref_slice %arg8[%dma_wait3A_255, %dma_wait3A_256] : memref<800x64xf32, #tpu.memory_space<vmem>> -> memref<200x64xf32, #tpu.memory_space<vmem>>
        %dma_wait3A_258 = arith.constant 0 : i32
        %dma_wait3A_259 = arith.constant 0 : i32
        %dma_wait3A_260 = tpu.memref_slice %arg5[%dma_wait3A_254, %dma_wait3A_258, %dma_wait3A_259] : memref<1024x200x64xf32, #tpu.memory_space<hbm>> -> memref<1x200x64xf32, #tpu.memory_space<hbm>>
        %dma_wait3A_261 = tpu.memref_squeeze %dma_wait3A_260 : memref<1x200x64xf32, #tpu.memory_space<hbm>> -> memref<200x64xf32, #tpu.memory_space<hbm>>
        %dma_wait3A_262 = arith.constant 0 : i32
        %dma_wait3A_263 = arith.constant 0 : i32
        %dma_wait3A_264 = tpu.memref_slice %arg5[%dma_wait3A_254, %dma_wait3A_262, %dma_wait3A_263] : memref<1024x200x64xf32, #tpu.memory_space<hbm>> -> memref<1x200x64xf32, #tpu.memory_space<hbm>>
        %dma_wait3A_265 = tpu.memref_squeeze %dma_wait3A_264 : memref<1x200x64xf32, #tpu.memory_space<hbm>> -> memref<200x64xf32, #tpu.memory_space<hbm>>
        %dma_wait3A_266 = arith.constant 0 : i32
        %dma_wait3A_267 = arith.constant 0 : i32
        %dma_wait3A_268 = tpu.memref_slice %arg8[%dma_wait3A_266, %dma_wait3A_267] : memref<800x64xf32, #tpu.memory_space<vmem>> -> memref<200x64xf32, #tpu.memory_space<vmem>>
        tpu.wait_dma2 semaphore(%arg13 : memref<!tpu.dma_semaphore, #tpu.memory_space<semaphore_mem>>) src(%dma_wait3A_268 : memref<200x64xf32, #tpu.memory_space<vmem>>) dst(%dma_wait3A_265 : memref<200x64xf32, #tpu.memory_space<hbm>>)
        %add3A_269 = arith.constant 4 : i32
        %add3A_270 = arith.addi %add3A_113, %add3A_269 : i32
        %dma_start3A_271 = arith.constant 0 : i32
        %dma_start3A_272 = arith.constant 0 : i32
        %dma_start3A_273 = tpu.memref_slice %arg8[%dma_start3A_271, %dma_start3A_272] : memref<800x64xf32, #tpu.memory_space<vmem>> -> memref<200x64xf32, #tpu.memory_space<vmem>>
        %dma_start3A_274 = arith.constant 0 : i32
        %dma_start3A_275 = tpu.memref_slice %arg6[%add3A_270, %dma_start3A_274] : memref<32x200xi32, #tpu.memory_space<vmem>> -> memref<1x200xi32, #tpu.memory_space<vmem>>
        %dma_start3A_276 = tpu.memref_squeeze %dma_start3A_275 : memref<1x200xi32, #tpu.memory_space<vmem>> -> memref<200xi32, #tpu.memory_space<vmem>>
        %dma_start3A_277 = arith.constant 0 : i32
        %dma_start3A_278 = arith.constant 0 : i32
        %dma_start3A_279 = tpu.memref_slice %arg2[%dma_start3A_277, %dma_start3A_278] : memref<100000x64xf32, #tpu.memory_space<hbm>> -> memref<100000x64xf32, #tpu.memory_space<hbm>>
        tpu.enqueue_indirect_dma source(%dma_start3A_279 : memref<100000x64xf32, #tpu.memory_space<hbm>>) target(%dma_start3A_273 : memref<200x64xf32, #tpu.memory_space<vmem>>) offsets(%dma_start3A_276 : memref<200xi32, #tpu.memory_space<vmem>>) semaphore(%arg9 : memref<!tpu.dma_semaphore, #tpu.memory_space<semaphore_mem>>)
      } else {
      }
      %mul3A_143 = arith.constant 4 : i32
      %mul3A_144 = arith.muli %add3A_109, %mul3A_143 : i32
      %add3A_145 = arith.constant 1 : i32
      %add3A_146 = arith.addi %mul3A_144, %add3A_145 : i32
      %dma_wait3A_147 = arith.constant 0 : i32
      %dma_wait3A_148 = arith.constant 200 : i32
      %dma_wait3A_149 = arith.constant 0 : i32
      %dma_wait3A_150 = tpu.memref_slice %arg8[%dma_wait3A_148, %dma_wait3A_149] : memref<800x64xf32, #tpu.memory_space<vmem>> -> memref<200x64xf32, #tpu.memory_space<vmem>>
      %dma_wait3A_151 = arith.constant 0 : i32
      %dma_wait3A_152 = tpu.memref_slice %arg6[%dma_wait3A_147, %dma_wait3A_151] : memref<32x200xi32, #tpu.memory_space<vmem>> -> memref<1x200xi32, #tpu.memory_space<vmem>>
      %dma_wait3A_153 = tpu.memref_squeeze %dma_wait3A_152 : memref<1x200xi32, #tpu.memory_space<vmem>> -> memref<200xi32, #tpu.memory_space<vmem>>
      %dma_wait3A_154 = arith.constant 0 : i32
      %dma_wait3A_155 = arith.constant 0 : i32
      %dma_wait3A_156 = tpu.memref_slice %arg2[%dma_wait3A_154, %dma_wait3A_155] : memref<100000x64xf32, #tpu.memory_space<hbm>> -> memref<100000x64xf32, #tpu.memory_space<hbm>>
      tpu.wait_indirect_dma semaphore(%arg10 : memref<!tpu.dma_semaphore, #tpu.memory_space<semaphore_mem>>) src(%dma_wait3A_156 : memref<100000x64xf32, #tpu.memory_space<hbm>>) dst(%dma_wait3A_150 : memref<200x64xf32, #tpu.memory_space<vmem>>)
      %parallel_loop3A_157 = arith.constant 0 : i32
      %parallel_loop3A_158 = arith.constant 200 : i32
      %parallel_loop3A_159 = arith.constant 1 : i32
      scf.for %parallel_loop3A_254 = %parallel_loop3A_157 to %parallel_loop3A_158 step %parallel_loop3A_159  : i32 {
        %parallel_loop3A_255 = arith.index_cast %parallel_loop3A_254 : i32 to index
        %parallel_loop3A_256 = arith.constant 0 : index
        %parallel_loop3A_257 = tpu.vector_load %arg7[%parallel_loop3A_255, %parallel_loop3A_256] {strides = array<i32>} : memref<200x64xf32, #tpu.memory_space<vmem>>, vector<1x16xf32>,
        %parallel_loop3A_258 = vector.shape_cast %parallel_loop3A_257 : vector<1x16xf32> to vector<16xf32>
        %parallel_loop3A_259 = arith.constant 200 : i32
        %parallel_loop3A_260 = arith.addi %parallel_loop3A_259, %parallel_loop3A_254 : i32
        %parallel_loop3A_261 = arith.index_cast %parallel_loop3A_260 : i32 to index
        %parallel_loop3A_262 = arith.constant 0 : index
        %parallel_loop3A_263 = tpu.vector_load %arg8[%parallel_loop3A_261, %parallel_loop3A_262] {strides = array<i32>} : memref<800x64xf32, #tpu.memory_space<vmem>>, vector<1x16xf32>,
        %parallel_loop3A_264 = vector.shape_cast %parallel_loop3A_263 : vector<1x16xf32> to vector<16xf32>
        %parallel_loop3A_265 = vector.shape_cast %parallel_loop3A_258 : vector<16xf32> to vector<1x16xf32>
        tpu.vector_store %arg8[%parallel_loop3A_261, %parallel_loop3A_262], %parallel_loop3A_265 {add = true, strides = array<i32>} : memref<800x64xf32, #tpu.memory_space<vmem>>, vector<1x16xf32>,
        %parallel_loop3A_266 = arith.index_cast %parallel_loop3A_254 : i32 to index
        %parallel_loop3A_267 = arith.constant 16 : index
        %parallel_loop3A_268 = tpu.vector_load %arg7[%parallel_loop3A_266, %parallel_loop3A_267] {strides = array<i32>} : memref<200x64xf32, #tpu.memory_space<vmem>>, vector<1x16xf32>,
        %parallel_loop3A_269 = vector.shape_cast %parallel_loop3A_268 : vector<1x16xf32> to vector<16xf32>
        %parallel_loop3A_270 = arith.constant 200 : i32
        %parallel_loop3A_271 = arith.addi %parallel_loop3A_270, %parallel_loop3A_254 : i32
        %parallel_loop3A_272 = arith.index_cast %parallel_loop3A_271 : i32 to index
        %parallel_loop3A_273 = arith.constant 16 : index
        %parallel_loop3A_274 = tpu.vector_load %arg8[%parallel_loop3A_272, %parallel_loop3A_273] {strides = array<i32>} : memref<800x64xf32, #tpu.memory_space<vmem>>, vector<1x16xf32>,
        %parallel_loop3A_275 = vector.shape_cast %parallel_loop3A_274 : vector<1x16xf32> to vector<16xf32>
        %parallel_loop3A_276 = vector.shape_cast %parallel_loop3A_269 : vector<16xf32> to vector<1x16xf32>
        tpu.vector_store %arg8[%parallel_loop3A_272, %parallel_loop3A_273], %parallel_loop3A_276 {add = true, strides = array<i32>} : memref<800x64xf32, #tpu.memory_space<vmem>>, vector<1x16xf32>,
        %parallel_loop3A_277 = arith.index_cast %parallel_loop3A_254 : i32 to index
        %parallel_loop3A_278 = arith.constant 32 : index
        %parallel_loop3A_279 = tpu.vector_load %arg7[%parallel_loop3A_277, %parallel_loop3A_278] {strides = array<i32>} : memref<200x64xf32, #tpu.memory_space<vmem>>, vector<1x16xf32>,
        %parallel_loop3A_280 = vector.shape_cast %parallel_loop3A_279 : vector<1x16xf32> to vector<16xf32>
        %parallel_loop3A_281 = arith.constant 200 : i32
        %parallel_loop3A_282 = arith.addi %parallel_loop3A_281, %parallel_loop3A_254 : i32
        %parallel_loop3A_283 = arith.index_cast %parallel_loop3A_282 : i32 to index
        %parallel_loop3A_284 = arith.constant 32 : index
        %parallel_loop3A_285 = tpu.vector_load %arg8[%parallel_loop3A_283, %parallel_loop3A_284] {strides = array<i32>} : memref<800x64xf32, #tpu.memory_space<vmem>>, vector<1x16xf32>,
        %parallel_loop3A_286 = vector.shape_cast %parallel_loop3A_285 : vector<1x16xf32> to vector<16xf32>
        %parallel_loop3A_287 = vector.shape_cast %parallel_loop3A_280 : vector<16xf32> to vector<1x16xf32>
        tpu.vector_store %arg8[%parallel_loop3A_283, %parallel_loop3A_284], %parallel_loop3A_287 {add = true, strides = array<i32>} : memref<800x64xf32, #tpu.memory_space<vmem>>, vector<1x16xf32>,
        %parallel_loop3A_288 = arith.index_cast %parallel_loop3A_254 : i32 to index
        %parallel_loop3A_289 = arith.constant 48 : index
        %parallel_loop3A_290 = tpu.vector_load %arg7[%parallel_loop3A_288, %parallel_loop3A_289] {strides = array<i32>} : memref<200x64xf32, #tpu.memory_space<vmem>>, vector<1x16xf32>,
        %parallel_loop3A_291 = vector.shape_cast %parallel_loop3A_290 : vector<1x16xf32> to vector<16xf32>
        %parallel_loop3A_292 = arith.constant 200 : i32
        %parallel_loop3A_293 = arith.addi %parallel_loop3A_292, %parallel_loop3A_254 : i32
        %parallel_loop3A_294 = arith.index_cast %parallel_loop3A_293 : i32 to index
        %parallel_loop3A_295 = arith.constant 48 : index
        %parallel_loop3A_296 = tpu.vector_load %arg8[%parallel_loop3A_294, %parallel_loop3A_295] {strides = array<i32>} : memref<800x64xf32, #tpu.memory_space<vmem>>, vector<1x16xf32>,
        %parallel_loop3A_297 = vector.shape_cast %parallel_loop3A_296 : vector<1x16xf32> to vector<16xf32>
        %parallel_loop3A_298 = vector.shape_cast %parallel_loop3A_291 : vector<16xf32> to vector<1x16xf32>
        tpu.vector_store %arg8[%parallel_loop3A_294, %parallel_loop3A_295], %parallel_loop3A_298 {add = true, strides = array<i32>} : memref<800x64xf32, #tpu.memory_space<vmem>>, vector<1x16xf32>,
      } {sc.loop_unroll_factor = 4 : i64, sc.parallel_access}
      %add3A_160 = arith.addi %mul3A_2, %add3A_146 : i32
      %dma_start3A_161 = arith.constant 200 : i32
      %dma_start3A_162 = arith.constant 0 : i32
      %dma_start3A_163 = tpu.memref_slice %arg8[%dma_start3A_161, %dma_start3A_162] : memref<800x64xf32, #tpu.memory_space<vmem>> -> memref<200x64xf32, #tpu.memory_space<vmem>>
      %dma_start3A_164 = arith.constant 0 : i32
      %dma_start3A_165 = arith.constant 0 : i32
      %dma_start3A_166 = tpu.memref_slice %arg5[%add3A_160, %dma_start3A_164, %dma_start3A_165] : memref<1024x200x64xf32, #tpu.memory_space<hbm>> -> memref<1x200x64xf32, #tpu.memory_space<hbm>>
      %dma_start3A_167 = tpu.memref_squeeze %dma_start3A_166 : memref<1x200x64xf32, #tpu.memory_space<hbm>> -> memref<200x64xf32, #tpu.memory_space<hbm>>
      %dma_start3A_168 = arith.constant 0 : i32
      %dma_start3A_169 = arith.constant 0 : i32
      %dma_start3A_170 = tpu.memref_slice %arg5[%add3A_160, %dma_start3A_168, %dma_start3A_169] : memref<1024x200x64xf32, #tpu.memory_space<hbm>> -> memref<1x200x64xf32, #tpu.memory_space<hbm>>
      %dma_start3A_171 = tpu.memref_squeeze %dma_start3A_170 : memref<1x200x64xf32, #tpu.memory_space<hbm>> -> memref<200x64xf32, #tpu.memory_space<hbm>>
      %dma_start3A_172 = arith.constant 200 : i32
      %dma_start3A_173 = arith.constant 0 : i32
      %dma_start3A_174 = tpu.memref_slice %arg8[%dma_start3A_172, %dma_start3A_173] : memref<800x64xf32, #tpu.memory_space<vmem>> -> memref<200x64xf32, #tpu.memory_space<vmem>>
      tpu.enqueue_dma source(%dma_start3A_174 : memref<200x64xf32, #tpu.memory_space<vmem>>) target(%dma_start3A_171 : memref<200x64xf32, #tpu.memory_space<hbm>>) target_semaphore(%arg14 : memref<!tpu.dma_semaphore, #tpu.memory_space<semaphore_mem>>)
      %lt3A_175 = arith.constant 28 : i32
      %lt3A_176 = arith.cmpi slt, %add3A_146, %lt3A_175 : i32
      %convert_element_type3A_177 = arith.extui %lt3A_176 : i1 to i32
      %cond3A_178 = arith.constant 0 : i32
      %cond3A_179 = arith.cmpi ne, %convert_element_type3A_177, %cond3A_178 : i32
      scf.if %cond3A_179 {
        %dma_wait3A_254 = arith.constant 0 : i32
        %dma_wait3A_255 = arith.constant 200 : i32
        %dma_wait3A_256 = arith.constant 0 : i32
        %dma_wait3A_257 = tpu.memref_slice %arg8[%dma_wait3A_255, %dma_wait3A_256] : memref<800x64xf32, #tpu.memory_space<vmem>> -> memref<200x64xf32, #tpu.memory_space<vmem>>
        %dma_wait3A_258 = arith.constant 0 : i32
        %dma_wait3A_259 = arith.constant 0 : i32
        %dma_wait3A_260 = tpu.memref_slice %arg5[%dma_wait3A_254, %dma_wait3A_258, %dma_wait3A_259] : memref<1024x200x64xf32, #tpu.memory_space<hbm>> -> memref<1x200x64xf32, #tpu.memory_space<hbm>>
        %dma_wait3A_261 = tpu.memref_squeeze %dma_wait3A_260 : memref<1x200x64xf32, #tpu.memory_space<hbm>> -> memref<200x64xf32, #tpu.memory_space<hbm>>
        %dma_wait3A_262 = arith.constant 0 : i32
        %dma_wait3A_263 = arith.constant 0 : i32
        %dma_wait3A_264 = tpu.memref_slice %arg5[%dma_wait3A_254, %dma_wait3A_262, %dma_wait3A_263] : memref<1024x200x64xf32, #tpu.memory_space<hbm>> -> memref<1x200x64xf32, #tpu.memory_space<hbm>>
        %dma_wait3A_265 = tpu.memref_squeeze %dma_wait3A_264 : memref<1x200x64xf32, #tpu.memory_space<hbm>> -> memref<200x64xf32, #tpu.memory_space<hbm>>
        %dma_wait3A_266 = arith.constant 200 : i32
        %dma_wait3A_267 = arith.constant 0 : i32
        %dma_wait3A_268 = tpu.memref_slice %arg8[%dma_wait3A_266, %dma_wait3A_267] : memref<800x64xf32, #tpu.memory_space<vmem>> -> memref<200x64xf32, #tpu.memory_space<vmem>>
        tpu.wait_dma2 semaphore(%arg14 : memref<!tpu.dma_semaphore, #tpu.memory_space<semaphore_mem>>) src(%dma_wait3A_268 : memref<200x64xf32, #tpu.memory_space<vmem>>) dst(%dma_wait3A_265 : memref<200x64xf32, #tpu.memory_space<hbm>>)
        %add3A_269 = arith.constant 4 : i32
        %add3A_270 = arith.addi %add3A_146, %add3A_269 : i32
        %dma_start3A_271 = arith.constant 200 : i32
        %dma_start3A_272 = arith.constant 0 : i32
        %dma_start3A_273 = tpu.memref_slice %arg8[%dma_start3A_271, %dma_start3A_272] : memref<800x64xf32, #tpu.memory_space<vmem>> -> memref<200x64xf32, #tpu.memory_space<vmem>>
        %dma_start3A_274 = arith.constant 0 : i32
        %dma_start3A_275 = tpu.memref_slice %arg6[%add3A_270, %dma_start3A_274] : memref<32x200xi32, #tpu.memory_space<vmem>> -> memref<1x200xi32, #tpu.memory_space<vmem>>
        %dma_start3A_276 = tpu.memref_squeeze %dma_start3A_275 : memref<1x200xi32, #tpu.memory_space<vmem>> -> memref<200xi32, #tpu.memory_space<vmem>>
        %dma_start3A_277 = arith.constant 0 : i32
        %dma_start3A_278 = arith.constant 0 : i32
        %dma_start3A_279 = tpu.memref_slice %arg2[%dma_start3A_277, %dma_start3A_278] : memref<100000x64xf32, #tpu.memory_space<hbm>> -> memref<100000x64xf32, #tpu.memory_space<hbm>>
        tpu.enqueue_indirect_dma source(%dma_start3A_279 : memref<100000x64xf32, #tpu.memory_space<hbm>>) target(%dma_start3A_273 : memref<200x64xf32, #tpu.memory_space<vmem>>) offsets(%dma_start3A_276 : memref<200xi32, #tpu.memory_space<vmem>>) semaphore(%arg10 : memref<!tpu.dma_semaphore, #tpu.memory_space<semaphore_mem>>)
      } else {
      }
      %mul3A_180 = arith.constant 4 : i32
      %mul3A_181 = arith.muli %add3A_109, %mul3A_180 : i32
      %add3A_182 = arith.constant 2 : i32
      %add3A_183 = arith.addi %mul3A_181, %add3A_182 : i32
      %dma_wait3A_184 = arith.constant 0 : i32
      %dma_wait3A_185 = arith.constant 400 : i32
      %dma_wait3A_186 = arith.constant 0 : i32
      %dma_wait3A_187 = tpu.memref_slice %arg8[%dma_wait3A_185, %dma_wait3A_186] : memref<800x64xf32, #tpu.memory_space<vmem>> -> memref<200x64xf32, #tpu.memory_space<vmem>>
      %dma_wait3A_188 = arith.constant 0 : i32
      %dma_wait3A_189 = tpu.memref_slice %arg6[%dma_wait3A_184, %dma_wait3A_188] : memref<32x200xi32, #tpu.memory_space<vmem>> -> memref<1x200xi32, #tpu.memory_space<vmem>>
      %dma_wait3A_190 = tpu.memref_squeeze %dma_wait3A_189 : memref<1x200xi32, #tpu.memory_space<vmem>> -> memref<200xi32, #tpu.memory_space<vmem>>
      %dma_wait3A_191 = arith.constant 0 : i32
      %dma_wait3A_192 = arith.constant 0 : i32
      %dma_wait3A_193 = tpu.memref_slice %arg2[%dma_wait3A_191, %dma_wait3A_192] : memref<100000x64xf32, #tpu.memory_space<hbm>> -> memref<100000x64xf32, #tpu.memory_space<hbm>>
      tpu.wait_indirect_dma semaphore(%arg11 : memref<!tpu.dma_semaphore, #tpu.memory_space<semaphore_mem>>) src(%dma_wait3A_193 : memref<100000x64xf32, #tpu.memory_space<hbm>>) dst(%dma_wait3A_187 : memref<200x64xf32, #tpu.memory_space<vmem>>)
      %parallel_loop3A_194 = arith.constant 0 : i32
      %parallel_loop3A_195 = arith.constant 200 : i32
      %parallel_loop3A_196 = arith.constant 1 : i32
      scf.for %parallel_loop3A_254 = %parallel_loop3A_194 to %parallel_loop3A_195 step %parallel_loop3A_196  : i32 {
        %parallel_loop3A_255 = arith.index_cast %parallel_loop3A_254 : i32 to index
        %parallel_loop3A_256 = arith.constant 0 : index
        %parallel_loop3A_257 = tpu.vector_load %arg7[%parallel_loop3A_255, %parallel_loop3A_256] {strides = array<i32>} : memref<200x64xf32, #tpu.memory_space<vmem>>, vector<1x16xf32>,
        %parallel_loop3A_258 = vector.shape_cast %parallel_loop3A_257 : vector<1x16xf32> to vector<16xf32>
        %parallel_loop3A_259 = arith.constant 400 : i32
        %parallel_loop3A_260 = arith.addi %parallel_loop3A_259, %parallel_loop3A_254 : i32
        %parallel_loop3A_261 = arith.index_cast %parallel_loop3A_260 : i32 to index
        %parallel_loop3A_262 = arith.constant 0 : index
        %parallel_loop3A_263 = tpu.vector_load %arg8[%parallel_loop3A_261, %parallel_loop3A_262] {strides = array<i32>} : memref<800x64xf32, #tpu.memory_space<vmem>>, vector<1x16xf32>,
        %parallel_loop3A_264 = vector.shape_cast %parallel_loop3A_263 : vector<1x16xf32> to vector<16xf32>
        %parallel_loop3A_265 = vector.shape_cast %parallel_loop3A_258 : vector<16xf32> to vector<1x16xf32>
        tpu.vector_store %arg8[%parallel_loop3A_261, %parallel_loop3A_262], %parallel_loop3A_265 {add = true, strides = array<i32>} : memref<800x64xf32, #tpu.memory_space<vmem>>, vector<1x16xf32>,
        %parallel_loop3A_266 = arith.index_cast %parallel_loop3A_254 : i32 to index
        %parallel_loop3A_267 = arith.constant 16 : index
        %parallel_loop3A_268 = tpu.vector_load %arg7[%parallel_loop3A_266, %parallel_loop3A_267] {strides = array<i32>} : memref<200x64xf32, #tpu.memory_space<vmem>>, vector<1x16xf32>,
        %parallel_loop3A_269 = vector.shape_cast %parallel_loop3A_268 : vector<1x16xf32> to vector<16xf32>
        %parallel_loop3A_270 = arith.constant 400 : i32
        %parallel_loop3A_271 = arith.addi %parallel_loop3A_270, %parallel_loop3A_254 : i32
        %parallel_loop3A_272 = arith.index_cast %parallel_loop3A_271 : i32 to index
        %parallel_loop3A_273 = arith.constant 16 : index
        %parallel_loop3A_274 = tpu.vector_load %arg8[%parallel_loop3A_272, %parallel_loop3A_273] {strides = array<i32>} : memref<800x64xf32, #tpu.memory_space<vmem>>, vector<1x16xf32>,
        %parallel_loop3A_275 = vector.shape_cast %parallel_loop3A_274 : vector<1x16xf32> to vector<16xf32>
        %parallel_loop3A_276 = vector.shape_cast %parallel_loop3A_269 : vector<16xf32> to vector<1x16xf32>
        tpu.vector_store %arg8[%parallel_loop3A_272, %parallel_loop3A_273], %parallel_loop3A_276 {add = true, strides = array<i32>} : memref<800x64xf32, #tpu.memory_space<vmem>>, vector<1x16xf32>,
        %parallel_loop3A_277 = arith.index_cast %parallel_loop3A_254 : i32 to index
        %parallel_loop3A_278 = arith.constant 32 : index
        %parallel_loop3A_279 = tpu.vector_load %arg7[%parallel_loop3A_277, %parallel_loop3A_278] {strides = array<i32>} : memref<200x64xf32, #tpu.memory_space<vmem>>, vector<1x16xf32>,
        %parallel_loop3A_280 = vector.shape_cast %parallel_loop3A_279 : vector<1x16xf32> to vector<16xf32>
        %parallel_loop3A_281 = arith.constant 400 : i32
        %parallel_loop3A_282 = arith.addi %parallel_loop3A_281, %parallel_loop3A_254 : i32
        %parallel_loop3A_283 = arith.index_cast %parallel_loop3A_282 : i32 to index
        %parallel_loop3A_284 = arith.constant 32 : index
        %parallel_loop3A_285 = tpu.vector_load %arg8[%parallel_loop3A_283, %parallel_loop3A_284] {strides = array<i32>} : memref<800x64xf32, #tpu.memory_space<vmem>>, vector<1x16xf32>,
        %parallel_loop3A_286 = vector.shape_cast %parallel_loop3A_285 : vector<1x16xf32> to vector<16xf32>
        %parallel_loop3A_287 = vector.shape_cast %parallel_loop3A_280 : vector<16xf32> to vector<1x16xf32>
        tpu.vector_store %arg8[%parallel_loop3A_283, %parallel_loop3A_284], %parallel_loop3A_287 {add = true, strides = array<i32>} : memref<800x64xf32, #tpu.memory_space<vmem>>, vector<1x16xf32>,
        %parallel_loop3A_288 = arith.index_cast %parallel_loop3A_254 : i32 to index
        %parallel_loop3A_289 = arith.constant 48 : index
        %parallel_loop3A_290 = tpu.vector_load %arg7[%parallel_loop3A_288, %parallel_loop3A_289] {strides = array<i32>} : memref<200x64xf32, #tpu.memory_space<vmem>>, vector<1x16xf32>,
        %parallel_loop3A_291 = vector.shape_cast %parallel_loop3A_290 : vector<1x16xf32> to vector<16xf32>
        %parallel_loop3A_292 = arith.constant 400 : i32
        %parallel_loop3A_293 = arith.addi %parallel_loop3A_292, %parallel_loop3A_254 : i32
        %parallel_loop3A_294 = arith.index_cast %parallel_loop3A_293 : i32 to index
        %parallel_loop3A_295 = arith.constant 48 : index
        %parallel_loop3A_296 = tpu.vector_load %arg8[%parallel_loop3A_294, %parallel_loop3A_295] {strides = array<i32>} : memref<800x64xf32, #tpu.memory_space<vmem>>, vector<1x16xf32>,
        %parallel_loop3A_297 = vector.shape_cast %parallel_loop3A_296 : vector<1x16xf32> to vector<16xf32>
        %parallel_loop3A_298 = vector.shape_cast %parallel_loop3A_291 : vector<16xf32> to vector<1x16xf32>
        tpu.vector_store %arg8[%parallel_loop3A_294, %parallel_loop3A_295], %parallel_loop3A_298 {add = true, strides = array<i32>} : memref<800x64xf32, #tpu.memory_space<vmem>>, vector<1x16xf32>,
      } {sc.loop_unroll_factor = 4 : i64, sc.parallel_access}
      %add3A_197 = arith.addi %mul3A_2, %add3A_183 : i32
      %dma_start3A_198 = arith.constant 400 : i32
      %dma_start3A_199 = arith.constant 0 : i32
      %dma_start3A_200 = tpu.memref_slice %arg8[%dma_start3A_198, %dma_start3A_199] : memref<800x64xf32, #tpu.memory_space<vmem>> -> memref<200x64xf32, #tpu.memory_space<vmem>>
      %dma_start3A_201 = arith.constant 0 : i32
      %dma_start3A_202 = arith.constant 0 : i32
      %dma_start3A_203 = tpu.memref_slice %arg5[%add3A_197, %dma_start3A_201, %dma_start3A_202] : memref<1024x200x64xf32, #tpu.memory_space<hbm>> -> memref<1x200x64xf32, #tpu.memory_space<hbm>>
      %dma_start3A_204 = tpu.memref_squeeze %dma_start3A_203 : memref<1x200x64xf32, #tpu.memory_space<hbm>> -> memref<200x64xf32, #tpu.memory_space<hbm>>
      %dma_start3A_205 = arith.constant 0 : i32
      %dma_start3A_206 = arith.constant 0 : i32
      %dma_start3A_207 = tpu.memref_slice %arg5[%add3A_197, %dma_start3A_205, %dma_start3A_206] : memref<1024x200x64xf32, #tpu.memory_space<hbm>> -> memref<1x200x64xf32, #tpu.memory_space<hbm>>
      %dma_start3A_208 = tpu.memref_squeeze %dma_start3A_207 : memref<1x200x64xf32, #tpu.memory_space<hbm>> -> memref<200x64xf32, #tpu.memory_space<hbm>>
      %dma_start3A_209 = arith.constant 400 : i32
      %dma_start3A_210 = arith.constant 0 : i32
      %dma_start3A_211 = tpu.memref_slice %arg8[%dma_start3A_209, %dma_start3A_210] : memref<800x64xf32, #tpu.memory_space<vmem>> -> memref<200x64xf32, #tpu.memory_space<vmem>>
      tpu.enqueue_dma source(%dma_start3A_211 : memref<200x64xf32, #tpu.memory_space<vmem>>) target(%dma_start3A_208 : memref<200x64xf32, #tpu.memory_space<hbm>>) target_semaphore(%arg15 : memref<!tpu.dma_semaphore, #tpu.memory_space<semaphore_mem>>)
      %lt3A_212 = arith.constant 28 : i32
      %lt3A_213 = arith.cmpi slt, %add3A_183, %lt3A_212 : i32
      %convert_element_type3A_214 = arith.extui %lt3A_213 : i1 to i32
      %cond3A_215 = arith.constant 0 : i32
      %cond3A_216 = arith.cmpi ne, %convert_element_type3A_214, %cond3A_215 : i32
      scf.if %cond3A_216 {
        %dma_wait3A_254 = arith.constant 0 : i32
        %dma_wait3A_255 = arith.constant 400 : i32
        %dma_wait3A_256 = arith.constant 0 : i32
        %dma_wait3A_257 = tpu.memref_slice %arg8[%dma_wait3A_255, %dma_wait3A_256] : memref<800x64xf32, #tpu.memory_space<vmem>> -> memref<200x64xf32, #tpu.memory_space<vmem>>
        %dma_wait3A_258 = arith.constant 0 : i32
        %dma_wait3A_259 = arith.constant 0 : i32
        %dma_wait3A_260 = tpu.memref_slice %arg5[%dma_wait3A_254, %dma_wait3A_258, %dma_wait3A_259] : memref<1024x200x64xf32, #tpu.memory_space<hbm>> -> memref<1x200x64xf32, #tpu.memory_space<hbm>>
        %dma_wait3A_261 = tpu.memref_squeeze %dma_wait3A_260 : memref<1x200x64xf32, #tpu.memory_space<hbm>> -> memref<200x64xf32, #tpu.memory_space<hbm>>
        %dma_wait3A_262 = arith.constant 0 : i32
        %dma_wait3A_263 = arith.constant 0 : i32
        %dma_wait3A_264 = tpu.memref_slice %arg5[%dma_wait3A_254, %dma_wait3A_262, %dma_wait3A_263] : memref<1024x200x64xf32, #tpu.memory_space<hbm>> -> memref<1x200x64xf32, #tpu.memory_space<hbm>>
        %dma_wait3A_265 = tpu.memref_squeeze %dma_wait3A_264 : memref<1x200x64xf32, #tpu.memory_space<hbm>> -> memref<200x64xf32, #tpu.memory_space<hbm>>
        %dma_wait3A_266 = arith.constant 400 : i32
        %dma_wait3A_267 = arith.constant 0 : i32
        %dma_wait3A_268 = tpu.memref_slice %arg8[%dma_wait3A_266, %dma_wait3A_267] : memref<800x64xf32, #tpu.memory_space<vmem>> -> memref<200x64xf32, #tpu.memory_space<vmem>>
        tpu.wait_dma2 semaphore(%arg15 : memref<!tpu.dma_semaphore, #tpu.memory_space<semaphore_mem>>) src(%dma_wait3A_268 : memref<200x64xf32, #tpu.memory_space<vmem>>) dst(%dma_wait3A_265 : memref<200x64xf32, #tpu.memory_space<hbm>>)
        %add3A_269 = arith.constant 4 : i32
        %add3A_270 = arith.addi %add3A_183, %add3A_269 : i32
        %dma_start3A_271 = arith.constant 400 : i32
        %dma_start3A_272 = arith.constant 0 : i32
        %dma_start3A_273 = tpu.memref_slice %arg8[%dma_start3A_271, %dma_start3A_272] : memref<800x64xf32, #tpu.memory_space<vmem>> -> memref<200x64xf32, #tpu.memory_space<vmem>>
        %dma_start3A_274 = arith.constant 0 : i32
        %dma_start3A_275 = tpu.memref_slice %arg6[%add3A_270, %dma_start3A_274] : memref<32x200xi32, #tpu.memory_space<vmem>> -> memref<1x200xi32, #tpu.memory_space<vmem>>
        %dma_start3A_276 = tpu.memref_squeeze %dma_start3A_275 : memref<1x200xi32, #tpu.memory_space<vmem>> -> memref<200xi32, #tpu.memory_space<vmem>>
        %dma_start3A_277 = arith.constant 0 : i32
        %dma_start3A_278 = arith.constant 0 : i32
        %dma_start3A_279 = tpu.memref_slice %arg2[%dma_start3A_277, %dma_start3A_278] : memref<100000x64xf32, #tpu.memory_space<hbm>> -> memref<100000x64xf32, #tpu.memory_space<hbm>>
        tpu.enqueue_indirect_dma source(%dma_start3A_279 : memref<100000x64xf32, #tpu.memory_space<hbm>>) target(%dma_start3A_273 : memref<200x64xf32, #tpu.memory_space<vmem>>) offsets(%dma_start3A_276 : memref<200xi32, #tpu.memory_space<vmem>>) semaphore(%arg11 : memref<!tpu.dma_semaphore, #tpu.memory_space<semaphore_mem>>)
      } else {
      }
      %mul3A_217 = arith.constant 4 : i32
      %mul3A_218 = arith.muli %add3A_109, %mul3A_217 : i32
      %add3A_219 = arith.constant 3 : i32
      %add3A_220 = arith.addi %mul3A_218, %add3A_219 : i32
      %dma_wait3A_221 = arith.constant 0 : i32
      %dma_wait3A_222 = arith.constant 600 : i32
      %dma_wait3A_223 = arith.constant 0 : i32
      %dma_wait3A_224 = tpu.memref_slice %arg8[%dma_wait3A_222, %dma_wait3A_223] : memref<800x64xf32, #tpu.memory_space<vmem>> -> memref<200x64xf32, #tpu.memory_space<vmem>>
      %dma_wait3A_225 = arith.constant 0 : i32
      %dma_wait3A_226 = tpu.memref_slice %arg6[%dma_wait3A_221, %dma_wait3A_225] : memref<32x200xi32, #tpu.memory_space<vmem>> -> memref<1x200xi32, #tpu.memory_space<vmem>>
      %dma_wait3A_227 = tpu.memref_squeeze %dma_wait3A_226 : memref<1x200xi32, #tpu.memory_space<vmem>> -> memref<200xi32, #tpu.memory_space<vmem>>
      %dma_wait3A_228 = arith.constant 0 : i32
      %dma_wait3A_229 = arith.constant 0 : i32
      %dma_wait3A_230 = tpu.memref_slice %arg2[%dma_wait3A_228, %dma_wait3A_229] : memref<100000x64xf32, #tpu.memory_space<hbm>> -> memref<100000x64xf32, #tpu.memory_space<hbm>>
      tpu.wait_indirect_dma semaphore(%arg12 : memref<!tpu.dma_semaphore, #tpu.memory_space<semaphore_mem>>) src(%dma_wait3A_230 : memref<100000x64xf32, #tpu.memory_space<hbm>>) dst(%dma_wait3A_224 : memref<200x64xf32, #tpu.memory_space<vmem>>)
      %parallel_loop3A_231 = arith.constant 0 : i32
      %parallel_loop3A_232 = arith.constant 200 : i32
      %parallel_loop3A_233 = arith.constant 1 : i32
      scf.for %parallel_loop3A_254 = %parallel_loop3A_231 to %parallel_loop3A_232 step %parallel_loop3A_233  : i32 {
        %parallel_loop3A_255 = arith.index_cast %parallel_loop3A_254 : i32 to index
        %parallel_loop3A_256 = arith.constant 0 : index
        %parallel_loop3A_257 = tpu.vector_load %arg7[%parallel_loop3A_255, %parallel_loop3A_256] {strides = array<i32>} : memref<200x64xf32, #tpu.memory_space<vmem>>, vector<1x16xf32>,
        %parallel_loop3A_258 = vector.shape_cast %parallel_loop3A_257 : vector<1x16xf32> to vector<16xf32>
        %parallel_loop3A_259 = arith.constant 600 : i32
        %parallel_loop3A_260 = arith.addi %parallel_loop3A_259, %parallel_loop3A_254 : i32
        %parallel_loop3A_261 = arith.index_cast %parallel_loop3A_260 : i32 to index
        %parallel_loop3A_262 = arith.constant 0 : index
        %parallel_loop3A_263 = tpu.vector_load %arg8[%parallel_loop3A_261, %parallel_loop3A_262] {strides = array<i32>} : memref<800x64xf32, #tpu.memory_space<vmem>>, vector<1x16xf32>,
        %parallel_loop3A_264 = vector.shape_cast %parallel_loop3A_263 : vector<1x16xf32> to vector<16xf32>
        %parallel_loop3A_265 = vector.shape_cast %parallel_loop3A_258 : vector<16xf32> to vector<1x16xf32>
        tpu.vector_store %arg8[%parallel_loop3A_261, %parallel_loop3A_262], %parallel_loop3A_265 {add = true, strides = array<i32>} : memref<800x64xf32, #tpu.memory_space<vmem>>, vector<1x16xf32>,
        %parallel_loop3A_266 = arith.index_cast %parallel_loop3A_254 : i32 to index
        %parallel_loop3A_267 = arith.constant 16 : index
        %parallel_loop3A_268 = tpu.vector_load %arg7[%parallel_loop3A_266, %parallel_loop3A_267] {strides = array<i32>} : memref<200x64xf32, #tpu.memory_space<vmem>>, vector<1x16xf32>,
        %parallel_loop3A_269 = vector.shape_cast %parallel_loop3A_268 : vector<1x16xf32> to vector<16xf32>
        %parallel_loop3A_270 = arith.constant 600 : i32
        %parallel_loop3A_271 = arith.addi %parallel_loop3A_270, %parallel_loop3A_254 : i32
        %parallel_loop3A_272 = arith.index_cast %parallel_loop3A_271 : i32 to index
        %parallel_loop3A_273 = arith.constant 16 : index
        %parallel_loop3A_274 = tpu.vector_load %arg8[%parallel_loop3A_272, %parallel_loop3A_273] {strides = array<i32>} : memref<800x64xf32, #tpu.memory_space<vmem>>, vector<1x16xf32>,
        %parallel_loop3A_275 = vector.shape_cast %parallel_loop3A_274 : vector<1x16xf32> to vector<16xf32>
        %parallel_loop3A_276 = vector.shape_cast %parallel_loop3A_269 : vector<16xf32> to vector<1x16xf32>
        tpu.vector_store %arg8[%parallel_loop3A_272, %parallel_loop3A_273], %parallel_loop3A_276 {add = true, strides = array<i32>} : memref<800x64xf32, #tpu.memory_space<vmem>>, vector<1x16xf32>,
        %parallel_loop3A_277 = arith.index_cast %parallel_loop3A_254 : i32 to index
        %parallel_loop3A_278 = arith.constant 32 : index
        %parallel_loop3A_279 = tpu.vector_load %arg7[%parallel_loop3A_277, %parallel_loop3A_278] {strides = array<i32>} : memref<200x64xf32, #tpu.memory_space<vmem>>, vector<1x16xf32>,
        %parallel_loop3A_280 = vector.shape_cast %parallel_loop3A_279 : vector<1x16xf32> to vector<16xf32>
        %parallel_loop3A_281 = arith.constant 600 : i32
        %parallel_loop3A_282 = arith.addi %parallel_loop3A_281, %parallel_loop3A_254 : i32
        %parallel_loop3A_283 = arith.index_cast %parallel_loop3A_282 : i32 to index
        %parallel_loop3A_284 = arith.constant 32 : index
        %parallel_loop3A_285 = tpu.vector_load %arg8[%parallel_loop3A_283, %parallel_loop3A_284] {strides = array<i32>} : memref<800x64xf32, #tpu.memory_space<vmem>>, vector<1x16xf32>,
        %parallel_loop3A_286 = vector.shape_cast %parallel_loop3A_285 : vector<1x16xf32> to vector<16xf32>
        %parallel_loop3A_287 = vector.shape_cast %parallel_loop3A_280 : vector<16xf32> to vector<1x16xf32>
        tpu.vector_store %arg8[%parallel_loop3A_283, %parallel_loop3A_284], %parallel_loop3A_287 {add = true, strides = array<i32>} : memref<800x64xf32, #tpu.memory_space<vmem>>, vector<1x16xf32>,
        %parallel_loop3A_288 = arith.index_cast %parallel_loop3A_254 : i32 to index
        %parallel_loop3A_289 = arith.constant 48 : index
        %parallel_loop3A_290 = tpu.vector_load %arg7[%parallel_loop3A_288, %parallel_loop3A_289] {strides = array<i32>} : memref<200x64xf32, #tpu.memory_space<vmem>>, vector<1x16xf32>,
        %parallel_loop3A_291 = vector.shape_cast %parallel_loop3A_290 : vector<1x16xf32> to vector<16xf32>
        %parallel_loop3A_292 = arith.constant 600 : i32
        %parallel_loop3A_293 = arith.addi %parallel_loop3A_292, %parallel_loop3A_254 : i32
        %parallel_loop3A_294 = arith.index_cast %parallel_loop3A_293 : i32 to index
        %parallel_loop3A_295 = arith.constant 48 : index
        %parallel_loop3A_296 = tpu.vector_load %arg8[%parallel_loop3A_294, %parallel_loop3A_295] {strides = array<i32>} : memref<800x64xf32, #tpu.memory_space<vmem>>, vector<1x16xf32>,
        %parallel_loop3A_297 = vector.shape_cast %parallel_loop3A_296 : vector<1x16xf32> to vector<16xf32>
        %parallel_loop3A_298 = vector.shape_cast %parallel_loop3A_291 : vector<16xf32> to vector<1x16xf32>
        tpu.vector_store %arg8[%parallel_loop3A_294, %parallel_loop3A_295], %parallel_loop3A_298 {add = true, strides = array<i32>} : memref<800x64xf32, #tpu.memory_space<vmem>>, vector<1x16xf32>,
      } {sc.loop_unroll_factor = 4 : i64, sc.parallel_access}
      %add3A_234 = arith.addi %mul3A_2, %add3A_220 : i32
      %dma_start3A_235 = arith.constant 600 : i32
      %dma_start3A_236 = arith.constant 0 : i32
      %dma_start3A_237 = tpu.memref_slice %arg8[%dma_start3A_235, %dma_start3A_236] : memref<800x64xf32, #tpu.memory_space<vmem>> -> memref<200x64xf32, #tpu.memory_space<vmem>>
      %dma_start3A_238 = arith.constant 0 : i32
      %dma_start3A_239 = arith.constant 0 : i32
      %dma_start3A_240 = tpu.memref_slice %arg5[%add3A_234, %dma_start3A_238, %dma_start3A_239] : memref<1024x200x64xf32, #tpu.memory_space<hbm>> -> memref<1x200x64xf32, #tpu.memory_space<hbm>>
      %dma_start3A_241 = tpu.memref_squeeze %dma_start3A_240 : memref<1x200x64xf32, #tpu.memory_space<hbm>> -> memref<200x64xf32, #tpu.memory_space<hbm>>
      %dma_start3A_242 = arith.constant 0 : i32
      %dma_start3A_243 = arith.constant 0 : i32
      %dma_start3A_244 = tpu.memref_slice %arg5[%add3A_234, %dma_start3A_242, %dma_start3A_243] : memref<1024x200x64xf32, #tpu.memory_space<hbm>> -> memref<1x200x64xf32, #tpu.memory_space<hbm>>
      %dma_start3A_245 = tpu.memref_squeeze %dma_start3A_244 : memref<1x200x64xf32, #tpu.memory_space<hbm>> -> memref<200x64xf32, #tpu.memory_space<hbm>>
      %dma_start3A_246 = arith.constant 600 : i32
      %dma_start3A_247 = arith.constant 0 : i32
      %dma_start3A_248 = tpu.memref_slice %arg8[%dma_start3A_246, %dma_start3A_247] : memref<800x64xf32, #tpu.memory_space<vmem>> -> memref<200x64xf32, #tpu.memory_space<vmem>>
      tpu.enqueue_dma source(%dma_start3A_248 : memref<200x64xf32, #tpu.memory_space<vmem>>) target(%dma_start3A_245 : memref<200x64xf32, #tpu.memory_space<hbm>>) target_semaphore(%arg16 : memref<!tpu.dma_semaphore, #tpu.memory_space<semaphore_mem>>)
      %lt3A_249 = arith.constant 28 : i32
      %lt3A_250 = arith.cmpi slt, %add3A_220, %lt3A_249 : i32
      %convert_element_type3A_251 = arith.extui %lt3A_250 : i1 to i32
      %cond3A_252 = arith.constant 0 : i32
      %cond3A_253 = arith.cmpi ne, %convert_element_type3A_251, %cond3A_252 : i32
      scf.if %cond3A_253 {
        %dma_wait3A_254 = arith.constant 0 : i32
        %dma_wait3A_255 = arith.constant 600 : i32
        %dma_wait3A_256 = arith.constant 0 : i32
        %dma_wait3A_257 = tpu.memref_slice %arg8[%dma_wait3A_255, %dma_wait3A_256] : memref<800x64xf32, #tpu.memory_space<vmem>> -> memref<200x64xf32, #tpu.memory_space<vmem>>
        %dma_wait3A_258 = arith.constant 0 : i32
        %dma_wait3A_259 = arith.constant 0 : i32
        %dma_wait3A_260 = tpu.memref_slice %arg5[%dma_wait3A_254, %dma_wait3A_258, %dma_wait3A_259] : memref<1024x200x64xf32, #tpu.memory_space<hbm>> -> memref<1x200x64xf32, #tpu.memory_space<hbm>>
        %dma_wait3A_261 = tpu.memref_squeeze %dma_wait3A_260 : memref<1x200x64xf32, #tpu.memory_space<hbm>> -> memref<200x64xf32, #tpu.memory_space<hbm>>
        %dma_wait3A_262 = arith.constant 0 : i32
        %dma_wait3A_263 = arith.constant 0 : i32
        %dma_wait3A_264 = tpu.memref_slice %arg5[%dma_wait3A_254, %dma_wait3A_262, %dma_wait3A_263] : memref<1024x200x64xf32, #tpu.memory_space<hbm>> -> memref<1x200x64xf32, #tpu.memory_space<hbm>>
        %dma_wait3A_265 = tpu.memref_squeeze %dma_wait3A_264 : memref<1x200x64xf32, #tpu.memory_space<hbm>> -> memref<200x64xf32, #tpu.memory_space<hbm>>
        %dma_wait3A_266 = arith.constant 600 : i32
        %dma_wait3A_267 = arith.constant 0 : i32
        %dma_wait3A_268 = tpu.memref_slice %arg8[%dma_wait3A_266, %dma_wait3A_267] : memref<800x64xf32, #tpu.memory_space<vmem>> -> memref<200x64xf32, #tpu.memory_space<vmem>>
        tpu.wait_dma2 semaphore(%arg16 : memref<!tpu.dma_semaphore, #tpu.memory_space<semaphore_mem>>) src(%dma_wait3A_268 : memref<200x64xf32, #tpu.memory_space<vmem>>) dst(%dma_wait3A_265 : memref<200x64xf32, #tpu.memory_space<hbm>>)
        %add3A_269 = arith.constant 4 : i32
        %add3A_270 = arith.addi %add3A_220, %add3A_269 : i32
        %dma_start3A_271 = arith.constant 600 : i32
        %dma_start3A_272 = arith.constant 0 : i32
        %dma_start3A_273 = tpu.memref_slice %arg8[%dma_start3A_271, %dma_start3A_272] : memref<800x64xf32, #tpu.memory_space<vmem>> -> memref<200x64xf32, #tpu.memory_space<vmem>>
        %dma_start3A_274 = arith.constant 0 : i32
        %dma_start3A_275 = tpu.memref_slice %arg6[%add3A_270, %dma_start3A_274] : memref<32x200xi32, #tpu.memory_space<vmem>> -> memref<1x200xi32, #tpu.memory_space<vmem>>
        %dma_start3A_276 = tpu.memref_squeeze %dma_start3A_275 : memref<1x200xi32, #tpu.memory_space<vmem>> -> memref<200xi32, #tpu.memory_space<vmem>>
        %dma_start3A_277 = arith.constant 0 : i32
        %dma_start3A_278 = arith.constant 0 : i32
        %dma_start3A_279 = tpu.memref_slice %arg2[%dma_start3A_277, %dma_start3A_278] : memref<100000x64xf32, #tpu.memory_space<hbm>> -> memref<100000x64xf32, #tpu.memory_space<hbm>>
        tpu.enqueue_indirect_dma source(%dma_start3A_279 : memref<100000x64xf32, #tpu.memory_space<hbm>>) target(%dma_start3A_273 : memref<200x64xf32, #tpu.memory_space<vmem>>) offsets(%dma_start3A_276 : memref<200xi32, #tpu.memory_space<vmem>>) semaphore(%arg12 : memref<!tpu.dma_semaphore, #tpu.memory_space<semaphore_mem>>)
      } else {
      }
    }
    %scan3A_45 = arith.constant 8 : i32
    %dma_wait3A = arith.constant 0 : i32
    %dma_wait3A_46 = arith.constant 0 : i32
    %dma_wait3A_47 = arith.constant 0 : i32
    %dma_wait3A_48 = tpu.memref_slice %arg8[%dma_wait3A_46, %dma_wait3A_47] : memref<800x64xf32, #tpu.memory_space<vmem>> -> memref<200x64xf32, #tpu.memory_space<vmem>>
    %dma_wait3A_49 = arith.constant 0 : i32
    %dma_wait3A_50 = arith.constant 0 : i32
    %dma_wait3A_51 = tpu.memref_slice %arg5[%dma_wait3A, %dma_wait3A_49, %dma_wait3A_50] : memref<1024x200x64xf32, #tpu.memory_space<hbm>> -> memref<1x200x64xf32, #tpu.memory_space<hbm>>
    %dma_wait3A_52 = tpu.memref_squeeze %dma_wait3A_51 : memref<1x200x64xf32, #tpu.memory_space<hbm>> -> memref<200x64xf32, #tpu.memory_space<hbm>>
    %dma_wait3A_53 = arith.constant 0 : i32
    %dma_wait3A_54 = arith.constant 0 : i32
    %dma_wait3A_55 = tpu.memref_slice %arg5[%dma_wait3A, %dma_wait3A_53, %dma_wait3A_54] : memref<1024x200x64xf32, #tpu.memory_space<hbm>> -> memref<1x200x64xf32, #tpu.memory_space<hbm>>
    %dma_wait3A_56 = tpu.memref_squeeze %dma_wait3A_55 : memref<1x200x64xf32, #tpu.memory_space<hbm>> -> memref<200x64xf32, #tpu.memory_space<hbm>>
    %dma_wait3A_57 = arith.constant 0 : i32
    %dma_wait3A_58 = arith.constant 0 : i32
    %dma_wait3A_59 = tpu.memref_slice %arg8[%dma_wait3A_57, %dma_wait3A_58] : memref<800x64xf32, #tpu.memory_space<vmem>> -> memref<200x64xf32, #tpu.memory_space<vmem>>
    tpu.wait_dma2 semaphore(%arg13 : memref<!tpu.dma_semaphore, #tpu.memory_space<semaphore_mem>>) src(%dma_wait3A_59 : memref<200x64xf32, #tpu.memory_space<vmem>>) dst(%dma_wait3A_56 : memref<200x64xf32, #tpu.memory_space<hbm>>)
    %dma_wait3A_60 = arith.constant 0 : i32
    %dma_wait3A_61 = arith.constant 200 : i32
    %dma_wait3A_62 = arith.constant 0 : i32
    %dma_wait3A_63 = tpu.memref_slice %arg8[%dma_wait3A_61, %dma_wait3A_62] : memref<800x64xf32, #tpu.memory_space<vmem>> -> memref<200x64xf32, #tpu.memory_space<vmem>>
    %dma_wait3A_64 = arith.constant 0 : i32
    %dma_wait3A_65 = arith.constant 0 : i32
    %dma_wait3A_66 = tpu.memref_slice %arg5[%dma_wait3A_60, %dma_wait3A_64, %dma_wait3A_65] : memref<1024x200x64xf32, #tpu.memory_space<hbm>> -> memref<1x200x64xf32, #tpu.memory_space<hbm>>
    %dma_wait3A_67 = tpu.memref_squeeze %dma_wait3A_66 : memref<1x200x64xf32, #tpu.memory_space<hbm>> -> memref<200x64xf32, #tpu.memory_space<hbm>>
    %dma_wait3A_68 = arith.constant 0 : i32
    %dma_wait3A_69 = arith.constant 0 : i32
    %dma_wait3A_70 = tpu.memref_slice %arg5[%dma_wait3A_60, %dma_wait3A_68, %dma_wait3A_69] : memref<1024x200x64xf32, #tpu.memory_space<hbm>> -> memref<1x200x64xf32, #tpu.memory_space<hbm>>
    %dma_wait3A_71 = tpu.memref_squeeze %dma_wait3A_70 : memref<1x200x64xf32, #tpu.memory_space<hbm>> -> memref<200x64xf32, #tpu.memory_space<hbm>>
    %dma_wait3A_72 = arith.constant 200 : i32
    %dma_wait3A_73 = arith.constant 0 : i32
    %dma_wait3A_74 = tpu.memref_slice %arg8[%dma_wait3A_72, %dma_wait3A_73] : memref<800x64xf32, #tpu.memory_space<vmem>> -> memref<200x64xf32, #tpu.memory_space<vmem>>
    tpu.wait_dma2 semaphore(%arg14 : memref<!tpu.dma_semaphore, #tpu.memory_space<semaphore_mem>>) src(%dma_wait3A_74 : memref<200x64xf32, #tpu.memory_space<vmem>>) dst(%dma_wait3A_71 : memref<200x64xf32, #tpu.memory_space<hbm>>)
    %dma_wait3A_75 = arith.constant 0 : i32
    %dma_wait3A_76 = arith.constant 400 : i32
    %dma_wait3A_77 = arith.constant 0 : i32
    %dma_wait3A_78 = tpu.memref_slice %arg8[%dma_wait3A_76, %dma_wait3A_77] : memref<800x64xf32, #tpu.memory_space<vmem>> -> memref<200x64xf32, #tpu.memory_space<vmem>>
    %dma_wait3A_79 = arith.constant 0 : i32
    %dma_wait3A_80 = arith.constant 0 : i32
    %dma_wait3A_81 = tpu.memref_slice %arg5[%dma_wait3A_75, %dma_wait3A_79, %dma_wait3A_80] : memref<1024x200x64xf32, #tpu.memory_space<hbm>> -> memref<1x200x64xf32, #tpu.memory_space<hbm>>
    %dma_wait3A_82 = tpu.memref_squeeze %dma_wait3A_81 : memref<1x200x64xf32, #tpu.memory_space<hbm>> -> memref<200x64xf32, #tpu.memory_space<hbm>>
    %dma_wait3A_83 = arith.constant 0 : i32
    %dma_wait3A_84 = arith.constant 0 : i32
    %dma_wait3A_85 = tpu.memref_slice %arg5[%dma_wait3A_75, %dma_wait3A_83, %dma_wait3A_84] : memref<1024x200x64xf32, #tpu.memory_space<hbm>> -> memref<1x200x64xf32, #tpu.memory_space<hbm>>
    %dma_wait3A_86 = tpu.memref_squeeze %dma_wait3A_85 : memref<1x200x64xf32, #tpu.memory_space<hbm>> -> memref<200x64xf32, #tpu.memory_space<hbm>>
    %dma_wait3A_87 = arith.constant 400 : i32
    %dma_wait3A_88 = arith.constant 0 : i32
    %dma_wait3A_89 = tpu.memref_slice %arg8[%dma_wait3A_87, %dma_wait3A_88] : memref<800x64xf32, #tpu.memory_space<vmem>> -> memref<200x64xf32, #tpu.memory_space<vmem>>
    tpu.wait_dma2 semaphore(%arg15 : memref<!tpu.dma_semaphore, #tpu.memory_space<semaphore_mem>>) src(%dma_wait3A_89 : memref<200x64xf32, #tpu.memory_space<vmem>>) dst(%dma_wait3A_86 : memref<200x64xf32, #tpu.memory_space<hbm>>)
    %dma_wait3A_90 = arith.constant 0 : i32
    %dma_wait3A_91 = arith.constant 600 : i32
    %dma_wait3A_92 = arith.constant 0 : i32
    %dma_wait3A_93 = tpu.memref_slice %arg8[%dma_wait3A_91, %dma_wait3A_92] : memref<800x64xf32, #tpu.memory_space<vmem>> -> memref<200x64xf32, #tpu.memory_space<vmem>>
    %dma_wait3A_94 = arith.constant 0 : i32
    %dma_wait3A_95 = arith.constant 0 : i32
    %dma_wait3A_96 = tpu.memref_slice %arg5[%dma_wait3A_90, %dma_wait3A_94, %dma_wait3A_95] : memref<1024x200x64xf32, #tpu.memory_space<hbm>> -> memref<1x200x64xf32, #tpu.memory_space<hbm>>
    %dma_wait3A_97 = tpu.memref_squeeze %dma_wait3A_96 : memref<1x200x64xf32, #tpu.memory_space<hbm>> -> memref<200x64xf32, #tpu.memory_space<hbm>>
    %dma_wait3A_98 = arith.constant 0 : i32
    %dma_wait3A_99 = arith.constant 0 : i32
    %dma_wait3A_100 = tpu.memref_slice %arg5[%dma_wait3A_90, %dma_wait3A_98, %dma_wait3A_99] : memref<1024x200x64xf32, #tpu.memory_space<hbm>> -> memref<1x200x64xf32, #tpu.memory_space<hbm>>
    %dma_wait3A_101 = tpu.memref_squeeze %dma_wait3A_100 : memref<1x200x64xf32, #tpu.memory_space<hbm>> -> memref<200x64xf32, #tpu.memory_space<hbm>>
    %dma_wait3A_102 = arith.constant 600 : i32
    %dma_wait3A_103 = arith.constant 0 : i32
    %dma_wait3A_104 = tpu.memref_slice %arg8[%dma_wait3A_102, %dma_wait3A_103] : memref<800x64xf32, #tpu.memory_space<vmem>> -> memref<200x64xf32, #tpu.memory_space<vmem>>
    tpu.wait_dma2 semaphore(%arg16 : memref<!tpu.dma_semaphore, #tpu.memory_space<semaphore_mem>>) src(%dma_wait3A_104 : memref<200x64xf32, #tpu.memory_space<vmem>>) dst(%dma_wait3A_101 : memref<200x64xf32, #tpu.memory_space<hbm>>)
    return
  }
}

</mosaic_0001>

<sc_bundles>
// kernel: kernel.3.cloned.1.call-start
scs
__scs_entry_jumppad:
0x0: {  	(pc) =	sbr.rel $0x88, $3  }
0x1: {  	(tag) =	ssettag $0x0;
	lr =	simm.s32 $0x1  }
0x2: {  	[smem:$0x3F9F] =	sst lr;
	_ =	strace $0xD0000000  }
0x3: {  	_ = 	snop  }
0x4: {  	_ = 	snop  }
0x5: {  	_ = 	snop  }
0x6: {  	_ = 	snop  }
0x7: {  	_ = 	snop  }
__scs_overlays_trampoline_lowered:
0x8: {  	[smem:$0x3FAE] =	sst s0  }
0x9: {  	[smem:$0x3FAF] =	sst s1  }
0xa: {  	[smem:$0x3FB0] =	sst s2  }
0xb: {  	[smem:$0x3FB1] =	sst s3  }
0xc: {  	[smem:$0x3FB2] =	sst s4  }
0xd: {  	[smem:$0x3FB3] =	sst s5  }
0xe: {  	[smem:$0x3FB4] =	sst s6  }
0xf: {  	[smem:$0x3FB5] =	sst s7  }
0x10: {  	[smem:$0x3FB6] =	sst s8  }
0x11: {  	[smem:$0x3FB7] =	sst s9;
	s0 =	simm.s32 @!p0 $0x0  }
0x12: {  	s1 =	sld [smem:$0x3F9D];
	s0 =	simm.s32 @p0 $0x1  }
0x13: {  	[smem:$0x3FB8] =	sst s0;
	s0 =	simm.s32 @!p1 $0x0  }
0x14: {  	s2 =	sld [smem:$0x3F9C];
	s0 =	simm.s32 @p1 $0x1  }
0x15: {  	[smem:$0x3FB9] =	sst s0;
	s0 =	simm.s32 @!p2 $0x0  }
0x16: {  	s3 =	sld [smem:$0x3FDB];
	s0 =	simm.s32 @p2 $0x1  }
0x17: {  	s4 =	simm.s32 $0x1BF5;
	[smem:$0x3FBB] =	sst s0  }
0x18: {  	s0 =	sld [smem:$0x3F9E];
	_ =	swait.ge [sflag:s4], $0x0  }
0x19: {  	s7 =	sld [smem:$0x3F9F]  }
0x1a: {  	s8 =	sadd.s32 $0xFFFFE003, lr  }
0x1b: {  	s9 =	sadd.s32 $0xFFFFFEF7, lr;
	s5 =	simm.s32 $0xFFFFFFFF;
	p2 =	slt.u32 s8, $0xFFFFF086  }
0x1c: {  	p1 =	slt.u32 s9, $0xF7A;
	s5 =	simm.s32 @!p2 $0x0  }
0x1d: {  	s5 =	simm.s32 @p1 $0x1;
	p0 =	seq.s32 s7, s2  }
0x1e: {  	s7 =	smul.u32 @!p0 $0xF7A, s2;
	p2 =	seq.s32 @!p0 s5, $0x0  }
0x1f: {  	s9 =	smul.u32 $0xF7A, s1;
	s8 =	simm.s32 @!p0 $0x1BF5;
	p2 =	por !p2, p0  }
0x20: {  	[sflag:s8] =	ssyncset.s32 @!p0 $0xFFFFF086;
	s6 =	sadd.s32 @!p0 s3, s7;
	s7 =	simm.s32 @!p0 $0x108  }
0x21: {  	s3 =	sadd.s32 s3, s9;
	s6 =	sadd.s32 @!p0 $0x88, s6;
	s7 =	simm.s32 @p2 $0x1082  }
0x22: {  	[simem:s7], [sflag:s8] =	dma.local @!p0 [hbm:s6], $0xF7A  }
0x23: {  	s9 =	sor.u32 $0xD0000000, s2;
	s6 =	simm.s32 $0x108;
	_ =	swait.ge @!p0 [sflag:s8], $0x0  }
0x24: {  	s3 =	sadd.s32 $0x88, s3;
	s6 =	simm.s32 @!p1 $0x1082;
	[sflag:s4] =	ssyncset.s32 $0xFFFFF086  }
0x25: {  	[simem:s6], [sflag:s4] =	dma.local [hbm:s3], $0xF7A  }
0x26: {  	[smem:$0x3F9F] =	sst s1;
	(tag) =	ssettag s2;
	_ =	strace s9  }
0x27: {  	s1 =	sld [smem:$0x3FAF]  }
0x28: {  	s2 =	sld [smem:$0x3FB0]  }
0x29: {  	s4 =	sld [smem:$0x3FB2]  }
0x2a: {  	p0 =	seq.s32 s5, $0x0;
	s5 =	sld [smem:$0x3FB3]  }
0x2b: {  	s6 =	sld [smem:$0x3FB4]  }
0x2c: {  	s7 =	sld [smem:$0x3FB5]  }
0x2d: {  	s3 =	simm.s32 $0x108;
	s8 =	sld [smem:$0x3FB6]  }
0x2e: {  	s3 =	simm.s32 @!p0 $0x1082;
	s9 =	sld [smem:$0x3FB7]  }
0x2f: {  	lr =	sadd.s32 s0, s3;
	s0 =	sld [smem:$0x3FAE]  }
0x30: {  	s3 =	sld [smem:$0x3FB1]  }
0x31: {  	[smem:$0x3FBA] =	sst s10  }
0x32: {  	s10 =	sld [smem:$0x3FB8];
	_ =	sdelay $0x3  }
0x33: {  	p0 =	seq.s32 s10, $0x1;
	s10 =	sld [smem:$0x3FBA];
	_ =	sdelay $0x3  }
0x34: {  	[smem:$0x3FBA] =	sst s10  }
0x35: {  	s10 =	sld [smem:$0x3FB9];
	_ =	sdelay $0x3  }
0x36: {  	p1 =	seq.s32 s10, $0x1;
	s10 =	sld [smem:$0x3FBA];
	_ =	sdelay $0x3  }
0x37: {  	[smem:$0x3FBA] =	sst s10  }
0x38: {  	s10 =	sld [smem:$0x3FBB]  }
0x39: {  	_ = 	snop;
	(pc) =	sbr.ind lr, $3  }
0x3a: {  	_ = 	snop  }
0x3b: {  	_ = 	snop  }
0x3c: {  	p2 =	seq.s32 s10, $0x1;
	s10 =	sld [smem:$0x3FBA]  }
0x3d: {  	_ =	shalt  }
0x3e: {  	_ =	shalt  }
0x3f: {  	_ =	shalt  }
0x40: {  	_ =	shalt  }
0x41: {  	_ =	shalt  }
0x42: {  	_ =	shalt  }
0x43: {  	_ =	shalt  }
0x44: {  	_ =	shalt  }
0x45: {  	_ =	shalt  }
0x46: {  	_ =	shalt  }
0x47: {  	_ =	shalt  }
0x48: {  	_ =	shalt  }
0x49: {  	_ =	shalt  }
0x4a: {  	_ =	shalt  }
0x4b: {  	_ =	shalt  }
0x4c: {  	_ =	shalt  }
0x4d: {  	_ =	shalt  }
0x4e: {  	_ =	shalt  }
0x4f: {  	_ =	shalt  }
0x50: {  	_ =	shalt  }
0x51: {  	_ =	shalt  }
0x52: {  	_ =	shalt  }
0x53: {  	_ =	shalt  }
0x54: {  	_ =	shalt  }
0x55: {  	_ =	shalt  }
0x56: {  	_ =	shalt  }
0x57: {  	_ =	shalt  }
0x58: {  	_ =	shalt  }
0x59: {  	_ =	shalt  }
0x5a: {  	_ =	shalt  }
0x5b: {  	_ =	shalt  }
0x5c: {  	_ =	shalt  }
0x5d: {  	_ =	shalt  }
0x5e: {  	_ =	shalt  }
0x5f: {  	_ =	shalt  }
0x60: {  	_ =	shalt  }
0x61: {  	_ =	shalt  }
0x62: {  	_ =	shalt  }
0x63: {  	_ =	shalt  }
0x64: {  	_ =	shalt  }
0x65: {  	_ =	shalt  }
0x66: {  	_ =	shalt  }
0x67: {  	_ =	shalt  }
0x68: {  	_ =	shalt  }
0x69: {  	_ =	shalt  }
0x6a: {  	_ =	shalt  }
0x6b: {  	_ =	shalt  }
0x6c: {  	_ =	shalt  }
0x6d: {  	_ =	shalt  }
0x6e: {  	_ =	shalt  }
0x6f: {  	_ =	shalt  }
0x70: {  	_ =	shalt  }
0x71: {  	_ =	shalt  }
0x72: {  	_ =	shalt  }
0x73: {  	_ =	shalt  }
0x74: {  	_ =	shalt  }
0x75: {  	_ =	shalt  }
0x76: {  	_ =	shalt  }
0x77: {  	_ =	shalt  }
0x78: {  	_ =	shalt  }
0x79: {  	_ =	shalt  }
0x7a: {  	_ =	shalt  }
0x7b: {  	_ =	shalt  }
0x7c: {  	_ =	shalt  }
0x7d: {  	_ =	shalt  }
0x7e: {  	_ =	shalt  }
0x7f: {  	_ =	shalt  }
0x80: {  	_ =	shalt  }
0x81: {  	_ =	shalt  }
0x82: {  	_ =	shalt  }
0x83: {  	_ =	shalt  }
0x84: {  	_ =	shalt  }
0x85: {  	_ =	shalt  }
0x86: {  	_ =	shalt  }
0x87: {  	_ =	shalt  }
.Lfunc_end0:
.L_simem_size_0:
called_computation.1_lowered:
.L_overlay_start_0:
0x88: {  	s2 =	sld [smem:$0x3FD9]  }
0x89: {  	s3 =	sld [smem:$0x3FFE];
	_ =	sdelay $0x1  }
0x8a: {  	s1 =	srdreg.scid  }
0x8b: {  	s0 =	sand.u32 $0x1, s1  }
0x8c: {  	s17 =	sshll.u32 s0, $0xA;
	s2 =	sadd.s32 s3, s2  }
0x8d: {  	s2 =	sadd.s32 s2, s17  }
0x8e: {  	[smem:$0x3FC6] =	sst s2  }
0x8f: {  	_ = 	snop  }
0x90: {  	s2 =	sld [smem:$0x3FD0];
	(tm) =	ssettm $0x1  }
0x91: {  	s18 =	sld [smem:$0x3FFB];
	_ =	sdelay $0x3  }
0x92: {  	_ =	strace s18  }
0x93: {  	s3 =	sld [smem:$0x3FFC];
	_ =	sdelay $0x3  }
0x94: {  	_ =	strace s3  }
0x95: {  	s3 =	sld [smem:$0x3FFD];
	_ =	sdelay $0x3  }
0x96: {  	_ =	strace s3  }
0x97: {  	_ =	strace $0x8FFFFFFF  }
0x98: {  	s19 =	sld [smem:$0x3FDB];
	_ =	sdelay $0x1  }
0x99: {  	s4 =	simm.s32 $_scs_section_size  }
0x9a: {  	s5 =	simm.s32 $_size__tile_overlayer_lowered;
	s6 =	simm.s32 $_tile_overlayer_lowered  }
0x9b: {  	s22 =	simm.s32 $0x1BFF;
	s21 =	sshll.u32 s6, $0x1;
	s3 =	sadd.s32 s4, s19  }
0x9c: {  	s7 =	simm.s32 $0x0;
	s20 =	sshll.u32 s5, $0x1;
	s5 =	sadd.s32 s21, s3  }
0x9d: {  	[timem:s7], [sflag:s22] =	dma.local [hbm:s5], s20  }
0x9e: {  	_ =	swait.ge [sflag:s22], s20  }
0x9f: {  	s4 =	ssub.s32 $0x0, s20;
	[sflag:s22] =	ssyncset.done $0x0  }
0xa0: {  	[sflag:s22] =	ssyncadd.s32 s4;
	_ =	sdelay $0x1  }
0xa1: {  	s23 =	simm.s32 $0x1B8B  }
0xa2: {  	_ =	swait.ge [sflag:s23], $0x1  }
0xa3: {  	[sflag:s23] =	ssyncset.done $0x0  }
0xa4: {  	s25 =	simm.s32 $0x1B8E;
	s24 =	sld [smem:$0x3FFE];
	[sflag:s23] =	ssyncadd.s32 $0xFFFFFFFF  }
0xa5: {  	s26 =	simm.s32 $execute0_lowered;
	[smem:$0x3FD2] =	sst s25  }
0xa6: {  	s5 =	sshll.u32 s26, $0x1;
	_ =	strace $0x80000046;
	[dreg:$0x1] =	wrdreg $0xFFFFFFFF  }
0xa7: {  	s28 =	simm.s32 $_size_execute0_lowered;
	s3 =	sadd.s32 s3, s5;
	[dreg:$0x0] =	wrdreg $0x0  }
0xa8: {  	s5 =	sshll.u32 s28, $0x1;
	[dreg:$0x2] =	wrdreg s3  }
0xa9: {  	[dreg:$0x3] =	wrdreg s5  }
0xaa: {  	[dreg:$0x4] =	wrdreg $0xC0  }
0xab: {  	_ =	task [dreg:s7], $0x5FFFF  }
0xac: {  	[dreg:$0x1] =	wrdreg $0xFFFFFFFF  }
0xad: {  	[dreg:$0x0] =	wrdreg $0x60  }
0xae: {  	[dreg:$0x2] =	wrdreg s24  }
0xaf: {  	[dreg:$0x3] =	wrdreg s2  }
0xb0: {  	[dreg:$0x4] =	wrdreg $0x9  }
0xb1: {  	_ =	task.clear_ibuf [dreg:s7], $0x5FFFF;
	_ =	strace $0x90000046  }
0xb2: {  	s29 =	simm.s32 $0x9;
	_ =	strace $0x80000048  }
0xb3: {  	_ =	swait.ge [sflag:s29], $0x1  }
0xb4: {  	[sflag:s29] =	ssyncadd.s32 $0xFFFFFFFF  }
0xb5: {  	_ =	strace $0x90000048  }
0xb6: {  	_ =	sfence  }
0xb7: {  	s30 =	sld [smem:$0x0];
	_ =	sdelay $0x2  }
0xb8: {  	s31 =	sshll.u32 s1, $0xD;
	s1 =	sshrl.u32 s1, $0x2  }
0xb9: {  	s3 =	sand.u32 $0x4000, s31;
	s1 =	sadd.s32 s1, s30  }
0xba: {  	s0 =	sor.u32 s3, s0;
	s1 =	sshll.u32 s1, $0x11  }
0xbb: {  	s0 =	sor.u32 s1, s0  }
0xbc: {  	s0 =	sadd.s32 $0x8F2B, s0  }
0xbd: {  	[sflag:s0] =	ssyncadd.remote.s32 $0x1  }
0xbe: {  	_ =	sfence.sel $0xFFFF  }
0xbf: {  	[dreg:$0x0] =	wrdreg $0xFFFFFFFF;
	(pc) =	sbr.abs _section_cstart, $3  }
0xc0: {  	[dreg:$0x1] =	wrdreg $0xFFFFFFFF  }
0xc1: {  	_ =	task.clear_ibuf [dreg:s7], $0x2FFFF;
	_ =	strace $0x9FFFFFFF  }
0xc2: {  	(tm) =	ssettm $0x7FFFFFFF  }
0xc3: {  	_ =	shalt  }
tec
execute0_lowered:
.L_overlay_start_1:
0x0: {  	(tag) =	ssettag $0x1  }
0x1: {  	s0 =	srdreg.scid  }
0x2: {  	s1 =	rddreg [dreg:$0x0];
	s3 =	stileid.u32  }
0x3: {  	s2 =	rddreg [dreg:$0x1];
	s9 =	simm.s32 $0x9;
	s10 =	simm.s32 $0x1900  }
0x4: {  	s11 =	simm.s32 $0xC8;
	s12 =	simm.s32 $0x4B00;
	s13 =	simm.s32 $0x7D00  }
0x5: {  	s14 =	simm.s32 $0x190;
	s15 =	simm.s32 $0xAF00;
	s16 =	simm.s32 $0x258  }
0x6: {  	s17 =	simm.s32 $0xE100;
	s18 =	simm.s32 $0x1;
	s19 =	simm.s32 $0x2  }
0x7: {  	s20 =	simm.s32 $0x3;
	s21 =	simm.s32 $0x4;
	s22 =	simm.s32 $0x5  }
0x8: {  	s23 =	simm.s32 $0x6;
	s24 =	simm.s32 $0x7;
	s0 =	sand.u32 $0x1, s0  }
0x9: {  	s25 =	simm.s32 $0x8;
	s4 =	sshll.u32 s3, $0x6;
	s5 =	sshll.u32 s0, $0x5  }
.Ltmp0:
0xa: {  	s3 =	simm.s32 $0x0;
	s4 =	sor.u32 s5, s4;
	(pc) =	sbr.rel .LBB2_1-.Ltmp0, $4  }
0xb: {  	[smem:$0x7FF] =	sst s3;
	s0 =	ssub.s32 $0x2, s0;
	s6 =	smul.u32 $0x19, s4  }
0xc: {  	s26 =	simm.s32 $0x0;
	_ =	strace $0x80000047;
	s7 =	sshrl.u32 s0, $0x1  }
0xd: {  	s5 =	sadd.s32 $0x6E00, s1;
	s0 =	ssub.s32 s0, s7;
	s8 =	sadd.s32 s6, s1  }
0xe: {  	s6 =	sadd.s32 $0x200, s1;
	s7 =	sadd.s32 $0xA00, s8;
	s8 =	smax.u32 s0, $0x1  }
.LBB2_12:
0xf: {  	_ =	swait.ge [sflag:s22], $0x3200  }
0x10: {  	[sflag:s22] =	ssyncset.done $0x0  }
0x11: {  	[sflag:s22] =	ssyncadd.s32 $0xFFFFCE00  }
0x12: {  	_ =	swait.ge [sflag:s23], $0x3200  }
0x13: {  	[sflag:s23] =	ssyncset.done $0x0  }
0x14: {  	s26 =	sadd.s32 $0x1, s26;
	[sflag:s23] =	ssyncadd.s32 $0xFFFFCE00  }
0x15: {  	p0 =	sne.s32 s26, s8;
	_ =	swait.ge [sflag:s24], $0x3200  }
.Ltmp1:
0x16: {  	[sflag:s24] =	ssyncset.done $0x0;
	(pc) =	sbr.rel @!p0 .LBB2_13-.Ltmp1, $4  }
0x17: {  	[sflag:s24] =	ssyncadd.s32 $0xFFFFCE00  }
0x18: {  	_ =	swait.ge [sflag:s25], $0x3200  }
0x19: {  	[sflag:s25] =	ssyncset.done $0x0  }
0x1a: {  	[sflag:s25] =	ssyncadd.s32 $0xFFFFCE00  }
.LBB2_1:
0x1b: {  	[tilespmem:s3], [sflag:$0x9] =	stream.linear.gather [hbm4b:s7+s3], $0x1900, $0x38;
	[tilespmem:$0x11300] =	vst v63  }
0x1c: {  	_ =	swait.ge [sflag:s9], $0x1900  }
0x1d: {  	[sflag:s9] =	ssyncset.done $0x0  }
0x1e: {  	[sflag:s9] =	ssyncadd.s32 $0xFFFFE700  }
0x1f: {  	[tilespmem:s10], [sflag:$0x9] =	stream.linear.gather [hbm4b:s6+s3], $0x3200, $0x38;
	[tilespmem:$0x11300] =	vst v63  }
0x20: {  	_ =	swait.ge [sflag:s9], $0x3200  }
0x21: {  	[sflag:s9] =	ssyncset.done $0x0  }
0x22: {  	[sflag:s9] =	ssyncadd.s32 $0xFFFFCE00  }
0x23: {  	[tilespmem:s12], [sflag:$0x1] =	stream.indirect.gather [hbm4b:s5+s11], $0x40, s3, s11, $0xb8;
	[tilespmem:$0x11300] =	vst v63  }
0x24: {  	_ = 	snop  }
0x25: {  	[tilespmem:s13], [sflag:$0x2] =	stream.indirect.gather [hbm4b:s5+s11], $0x40, s11, s11, $0xb8;
	[tilespmem:$0x11300] =	vst v63  }
0x26: {  	_ = 	snop  }
0x27: {  	[tilespmem:s15], [sflag:$0x3] =	stream.indirect.gather [hbm4b:s5+s11], $0x40, s14, s11, $0xb8;
	[tilespmem:$0x11300] =	vst v63  }
0x28: {  	s28 =	simm.s32 $0x0  }
0x29: {  	[tilespmem:s17], [sflag:$0x4] =	stream.indirect.gather [hbm4b:s5+s11], $0x40, s16, s11, $0xb8;
	[tilespmem:$0x11300] =	vst v63  }
.LBB2_2:
0x2a: {  	_ =	swait.ge [sflag:s18], $0x3200  }
0x2b: {  	[sflag:s18] =	ssyncset.done $0x0  }
0x2c: {  	s29 =	simm.s32 $0x0;
	[sflag:s18] =	ssyncadd.s32 $0xFFFFCE00  }
0x2d: {  	v0 =	vld [tilespmem:s29+$0x19F0]  }
0x2e: {  	v1 =	vld [tilespmem:s29+$0x1900]  }
0x2f: {  	v2 =	vld [tilespmem:s29+$0x1910]  }
0x30: {  	v3 =	vld [tilespmem:s29+$0x1920]  }
0x31: {  	v4 =	vld [tilespmem:s29+$0x1930]  }
0x32: {  	v5 =	vld [tilespmem:s29+$0x1940]  }
0x33: {  	v6 =	vld [tilespmem:s29+$0x1950]  }
0x34: {  	v7 =	vld [tilespmem:s29+$0x1960]  }
0x35: {  	v8 =	vld [tilespmem:s29+$0x1970]  }
0x36: {  	v9 =	vld [tilespmem:s29+$0x1980]  }
0x37: {  	v10 =	vld [tilespmem:s29+$0x1990]  }
0x38: {  	v11 =	vld [tilespmem:s29+$0x19A0]  }
0x39: {  	v12 =	vld [tilespmem:s29+$0x19B0]  }
0x3a: {  	v13 =	vld [tilespmem:s29+$0x19C0]  }
0x3b: {  	v14 =	vld [tilespmem:s29+$0x19D0]  }
0x3c: {  	[tilespmem:s29+$0x4BF0] =	vst.add.f32.msk $0xffff, v0  }
0x3d: {  	v0 =	vld [tilespmem:s29+$0x19E0]  }
0x3e: {  	[tilespmem:s29+$0x4B00] =	vst.add.f32.msk $0xffff, v1  }
0x3f: {  	[tilespmem:s29+$0x4B10] =	vst.add.f32.msk $0xffff, v2  }
0x40: {  	[tilespmem:s29+$0x4B20] =	vst.add.f32.msk $0xffff, v3  }
0x41: {  	[tilespmem:s29+$0x4B30] =	vst.add.f32.msk $0xffff, v4  }
0x42: {  	[tilespmem:s29+$0x4B40] =	vst.add.f32.msk $0xffff, v5  }
0x43: {  	[tilespmem:s29+$0x4B50] =	vst.add.f32.msk $0xffff, v6  }
0x44: {  	[tilespmem:s29+$0x4B60] =	vst.add.f32.msk $0xffff, v7  }
0x45: {  	[tilespmem:s29+$0x4B70] =	vst.add.f32.msk $0xffff, v8  }
0x46: {  	[tilespmem:s29+$0x4B80] =	vst.add.f32.msk $0xffff, v9  }
0x47: {  	[tilespmem:s29+$0x4B90] =	vst.add.f32.msk $0xffff, v10  }
0x48: {  	[tilespmem:s29+$0x4BA0] =	vst.add.f32.msk $0xffff, v11  }
0x49: {  	[tilespmem:s29+$0x4BB0] =	vst.add.f32.msk $0xffff, v12  }
0x4a: {  	[tilespmem:s29+$0x4BC0] =	vst.add.f32.msk $0xffff, v13  }
0x4b: {  	s30 =	simm.s32 $0x0;
	s1 =	simm.s32 $0x400;
	[tilespmem:s29+$0x4BD0] =	vst.add.f32.msk $0xffff, v14  }
.LBB2_3:
0x4c: {  	s30 =	sadd.s32 $0x4, s30;
	[tilespmem:s29+$0x4BE0] =	vst.add.f32.msk $0xffff, v0;
	s29 =	sshra.s32 s1, $0x2  }
0x4d: {  	v0 =	vld [tilespmem:s29+$0x19F0];
	p0 =	slt.u32 s30, $0xC4  }
0x4e: {  	v1 =	vld [tilespmem:s29+$0x1900]  }
0x4f: {  	v2 =	vld [tilespmem:s29+$0x1910]  }
0x50: {  	v3 =	vld [tilespmem:s29+$0x1920]  }
0x51: {  	v4 =	vld [tilespmem:s29+$0x1930]  }
0x52: {  	[tilespmem:s29+$0x4BF0] =	vst.add.f32.msk $0xffff, v0  }
0x53: {  	v5 =	vld [tilespmem:s29+$0x1940]  }
0x54: {  	v6 =	vld [tilespmem:s29+$0x1950]  }
0x55: {  	v7 =	vld [tilespmem:s29+$0x1960]  }
0x56: {  	v8 =	vld [tilespmem:s29+$0x1970]  }
0x57: {  	v9 =	vld [tilespmem:s29+$0x1980]  }
0x58: {  	v10 =	vld [tilespmem:s29+$0x1990]  }
0x59: {  	v11 =	vld [tilespmem:s29+$0x19A0]  }
0x5a: {  	v12 =	vld [tilespmem:s29+$0x19B0]  }
0x5b: {  	v13 =	vld [tilespmem:s29+$0x19C0]  }
0x5c: {  	v14 =	vld [tilespmem:s29+$0x19D0]  }
0x5d: {  	v0 =	vld [tilespmem:s29+$0x19E0]  }
0x5e: {  	[tilespmem:s29+$0x4B00] =	vst.add.f32.msk $0xffff, v1  }
0x5f: {  	[tilespmem:s29+$0x4B10] =	vst.add.f32.msk $0xffff, v2  }
0x60: {  	[tilespmem:s29+$0x4B20] =	vst.add.f32.msk $0xffff, v3  }
0x61: {  	[tilespmem:s29+$0x4B30] =	vst.add.f32.msk $0xffff, v4  }
0x62: {  	[tilespmem:s29+$0x4B40] =	vst.add.f32.msk $0xffff, v5  }
0x63: {  	[tilespmem:s29+$0x4B50] =	vst.add.f32.msk $0xffff, v6  }
0x64: {  	[tilespmem:s29+$0x4B60] =	vst.add.f32.msk $0xffff, v7  }
0x65: {  	[tilespmem:s29+$0x4B70] =	vst.add.f32.msk $0xffff, v8  }
0x66: {  	[tilespmem:s29+$0x4B80] =	vst.add.f32.msk $0xffff, v9  }
.Ltmp2:
0x67: {  	[tilespmem:s29+$0x4B90] =	vst.add.f32.msk $0xffff, v10;
	(pc) =	sbr.rel @p0 .LBB2_3-.Ltmp2, $4  }
0x68: {  	[tilespmem:s29+$0x4BA0] =	vst.add.f32.msk $0xffff, v11  }
0x69: {  	[tilespmem:s29+$0x4BB0] =	vst.add.f32.msk $0xffff, v12  }
0x6a: {  	[tilespmem:s29+$0x4BC0] =	vst.add.f32.msk $0xffff, v13  }
0x6b: {  	s1 =	sadd.s32 $0x400, s1;
	[tilespmem:s29+$0x4BD0] =	vst.add.f32.msk $0xffff, v14  }
0x6c: {  	s30 =	sshll.u32 s28, $0x2  }
0x6d: {  	s0 =	sadd.s32 s4, s30  }
0x6e: {  	s0 =	smul.u32 $0x640, s0;
	_ =	sdelay $0x1  }
0x6f: {  	[tilespmem:s29+$0x4BE0] =	vst.add.f32.msk $0xffff, v0;
	p0 =	seq.s32 s28, $0x7;
	s0 =	sadd.s32 s2, s0  }
0x70: {  	[hbm4b:s0+s3] =	stream.linear.scatter [tilespmem:s12], [sflag:$0x5], $0x3200, $0x38;
	[tilespmem:$0x11300] =	vst v63  }
0x71: {  	s1 =	smul.u32 @!p0 $0xC80, s28;
	s0 =	simm.s32 @!p0 $0x5  }
0x72: {  	_ =	swait.ge @!p0 [sflag:s0], $0x3200  }
0x73: {  	s31 =	simm.s32 @!p0 $0x4B00;
	s29 =	sshra.s32 @!p0 s1, $0x2;
	[sflag:s0] =	ssyncset.done @!p0 $0x0  }
0x74: {  	s1 =	simm.s32 @!p0 $0xC8;
	[sflag:s0] =	ssyncadd.s32 @!p0 $0xFFFFCE00;
	s0 =	sadd.s32 @!p0 $0x320, s29  }
0x75: {  	[tilespmem:s31], [sflag:$0x1] =	stream.indirect.gather @!p0 [hbm4b:s5+s1], $0x40, s0, s1, $0xb8;
	[tilespmem:$0x11300] =	vst v63  }
0x76: {  	_ =	swait.ge [sflag:s19], $0x3200  }
0x77: {  	[sflag:s19] =	ssyncset.done $0x0  }
0x78: {  	s31 =	simm.s32 $0x0;
	[sflag:s19] =	ssyncadd.s32 $0xFFFFCE00  }
0x79: {  	v0 =	vld [tilespmem:s31+$0x19F0]  }
0x7a: {  	v1 =	vld [tilespmem:s31+$0x1900]  }
0x7b: {  	v2 =	vld [tilespmem:s31+$0x1910]  }
0x7c: {  	v3 =	vld [tilespmem:s31+$0x1920]  }
0x7d: {  	v4 =	vld [tilespmem:s31+$0x1930]  }
0x7e: {  	v5 =	vld [tilespmem:s31+$0x1940]  }
0x7f: {  	v6 =	vld [tilespmem:s31+$0x1950]  }
0x80: {  	v7 =	vld [tilespmem:s31+$0x1960]  }
0x81: {  	v8 =	vld [tilespmem:s31+$0x1970]  }
0x82: {  	v9 =	vld [tilespmem:s31+$0x1980]  }
0x83: {  	v10 =	vld [tilespmem:s31+$0x1990]  }
0x84: {  	v11 =	vld [tilespmem:s31+$0x19A0]  }
0x85: {  	v12 =	vld [tilespmem:s31+$0x19B0]  }
0x86: {  	v13 =	vld [tilespmem:s31+$0x19C0]  }
0x87: {  	v14 =	vld [tilespmem:s31+$0x19D0]  }
0x88: {  	[tilespmem:s31+$0x7DF0] =	vst.add.f32.msk $0xffff, v0  }
0x89: {  	v0 =	vld [tilespmem:s31+$0x19E0]  }
0x8a: {  	[tilespmem:s31+$0x7D00] =	vst.add.f32.msk $0xffff, v1  }
0x8b: {  	[tilespmem:s31+$0x7D10] =	vst.add.f32.msk $0xffff, v2  }
0x8c: {  	[tilespmem:s31+$0x7D20] =	vst.add.f32.msk $0xffff, v3  }
0x8d: {  	[tilespmem:s31+$0x7D30] =	vst.add.f32.msk $0xffff, v4  }
0x8e: {  	[tilespmem:s31+$0x7D40] =	vst.add.f32.msk $0xffff, v5  }
0x8f: {  	[tilespmem:s31+$0x7D50] =	vst.add.f32.msk $0xffff, v6  }
0x90: {  	[tilespmem:s31+$0x7D60] =	vst.add.f32.msk $0xffff, v7  }
0x91: {  	[tilespmem:s31+$0x7D70] =	vst.add.f32.msk $0xffff, v8  }
0x92: {  	[tilespmem:s31+$0x7D80] =	vst.add.f32.msk $0xffff, v9  }
0x93: {  	[tilespmem:s31+$0x7D90] =	vst.add.f32.msk $0xffff, v10  }
0x94: {  	[tilespmem:s31+$0x7DA0] =	vst.add.f32.msk $0xffff, v11  }
0x95: {  	[tilespmem:s31+$0x7DB0] =	vst.add.f32.msk $0xffff, v12  }
0x96: {  	[tilespmem:s31+$0x7DC0] =	vst.add.f32.msk $0xffff, v13  }
0x97: {  	s1 =	simm.s32 $0x0;
	s0 =	simm.s32 $0x400;
	[tilespmem:s31+$0x7DD0] =	vst.add.f32.msk $0xffff, v14  }
.LBB2_5:
0x98: {  	s1 =	sadd.s32 $0x4, s1;
	[tilespmem:s31+$0x7DE0] =	vst.add.f32.msk $0xffff, v0;
	s31 =	sshra.s32 s0, $0x2  }
0x99: {  	v0 =	vld [tilespmem:s31+$0x19F0];
	p1 =	slt.u32 s1, $0xC4  }
0x9a: {  	v1 =	vld [tilespmem:s31+$0x1900]  }
0x9b: {  	v2 =	vld [tilespmem:s31+$0x1910]  }
0x9c: {  	v3 =	vld [tilespmem:s31+$0x1920]  }
0x9d: {  	v4 =	vld [tilespmem:s31+$0x1930]  }
0x9e: {  	[tilespmem:s31+$0x7DF0] =	vst.add.f32.msk $0xffff, v0  }
0x9f: {  	v5 =	vld [tilespmem:s31+$0x1940]  }
0xa0: {  	v6 =	vld [tilespmem:s31+$0x1950]  }
0xa1: {  	v7 =	vld [tilespmem:s31+$0x1960]  }
0xa2: {  	v8 =	vld [tilespmem:s31+$0x1970]  }
0xa3: {  	v9 =	vld [tilespmem:s31+$0x1980]  }
0xa4: {  	v10 =	vld [tilespmem:s31+$0x1990]  }
0xa5: {  	v11 =	vld [tilespmem:s31+$0x19A0]  }
0xa6: {  	v12 =	vld [tilespmem:s31+$0x19B0]  }
0xa7: {  	v13 =	vld [tilespmem:s31+$0x19C0]  }
0xa8: {  	v14 =	vld [tilespmem:s31+$0x19D0]  }
0xa9: {  	v0 =	vld [tilespmem:s31+$0x19E0]  }
0xaa: {  	[tilespmem:s31+$0x7D00] =	vst.add.f32.msk $0xffff, v1  }
0xab: {  	[tilespmem:s31+$0x7D10] =	vst.add.f32.msk $0xffff, v2  }
0xac: {  	[tilespmem:s31+$0x7D20] =	vst.add.f32.msk $0xffff, v3  }
0xad: {  	[tilespmem:s31+$0x7D30] =	vst.add.f32.msk $0xffff, v4  }
0xae: {  	[tilespmem:s31+$0x7D40] =	vst.add.f32.msk $0xffff, v5  }
0xaf: {  	[tilespmem:s31+$0x7D50] =	vst.add.f32.msk $0xffff, v6  }
0xb0: {  	[tilespmem:s31+$0x7D60] =	vst.add.f32.msk $0xffff, v7  }
0xb1: {  	[tilespmem:s31+$0x7D70] =	vst.add.f32.msk $0xffff, v8  }
0xb2: {  	[tilespmem:s31+$0x7D80] =	vst.add.f32.msk $0xffff, v9  }
.Ltmp3:
0xb3: {  	[tilespmem:s31+$0x7D90] =	vst.add.f32.msk $0xffff, v10;
	(pc) =	sbr.rel @p1 .LBB2_5-.Ltmp3, $4  }
0xb4: {  	[tilespmem:s31+$0x7DA0] =	vst.add.f32.msk $0xffff, v11  }
0xb5: {  	[tilespmem:s31+$0x7DB0] =	vst.add.f32.msk $0xffff, v12  }
0xb6: {  	[tilespmem:s31+$0x7DC0] =	vst.add.f32.msk $0xffff, v13  }
0xb7: {  	s0 =	sadd.s32 $0x400, s0;
	[tilespmem:s31+$0x7DD0] =	vst.add.f32.msk $0xffff, v14  }
0xb8: {  	s0 =	sadd.s32 s30, s4  }
0xb9: {  	s0 =	smul.u32 $0x640, s0;
	_ =	sdelay $0x1  }
0xba: {  	s30 =	sadd.s32 s2, s0  }
0xbb: {  	[tilespmem:s31+$0x7DE0] =	vst.add.f32.msk $0xffff, v0;
	s0 =	sadd.s32 $0x640, s30  }
0xbc: {  	[hbm4b:s0+s3] =	stream.linear.scatter [tilespmem:s13], [sflag:$0x6], $0x3200, $0x38;
	[tilespmem:$0x11300] =	vst v63  }
0xbd: {  	s0 =	simm.s32 @!p0 $0x6  }
0xbe: {  	_ =	swait.ge @!p0 [sflag:s0], $0x3200  }
0xbf: {  	s1 =	simm.s32 @!p0 $0xC8;
	[sflag:s0] =	ssyncset.done @!p0 $0x0  }
0xc0: {  	s31 =	simm.s32 @!p0 $0x7D00;
	[sflag:s0] =	ssyncadd.s32 @!p0 $0xFFFFCE00;
	s0 =	sadd.s32 @!p0 $0x3E8, s29  }
0xc1: {  	[tilespmem:s31], [sflag:$0x2] =	stream.indirect.gather @!p0 [hbm4b:s5+s1], $0x40, s0, s1, $0xb8;
	[tilespmem:$0x11300] =	vst v63  }
0xc2: {  	_ =	swait.ge [sflag:s20], $0x3200  }
0xc3: {  	[sflag:s20] =	ssyncset.done $0x0  }
0xc4: {  	s31 =	simm.s32 $0x0;
	[sflag:s20] =	ssyncadd.s32 $0xFFFFCE00  }
0xc5: {  	v0 =	vld [tilespmem:s31+$0x19F0]  }
0xc6: {  	v1 =	vld [tilespmem:s31+$0x1900]  }
0xc7: {  	v2 =	vld [tilespmem:s31+$0x1910]  }
0xc8: {  	v3 =	vld [tilespmem:s31+$0x1920]  }
0xc9: {  	v4 =	vld [tilespmem:s31+$0x1930]  }
0xca: {  	v5 =	vld [tilespmem:s31+$0x1940]  }
0xcb: {  	v6 =	vld [tilespmem:s31+$0x1950]  }
0xcc: {  	v7 =	vld [tilespmem:s31+$0x1960]  }
0xcd: {  	v8 =	vld [tilespmem:s31+$0x1970]  }
0xce: {  	v9 =	vld [tilespmem:s31+$0x1980]  }
0xcf: {  	v10 =	vld [tilespmem:s31+$0x1990]  }
0xd0: {  	v11 =	vld [tilespmem:s31+$0x19A0]  }
0xd1: {  	v12 =	vld [tilespmem:s31+$0x19B0]  }
0xd2: {  	v13 =	vld [tilespmem:s31+$0x19C0]  }
0xd3: {  	v14 =	vld [tilespmem:s31+$0x19D0]  }
0xd4: {  	[tilespmem:s31+$0xAFF0] =	vst.add.f32.msk $0xffff, v0  }
0xd5: {  	v0 =	vld [tilespmem:s31+$0x19E0]  }
0xd6: {  	[tilespmem:s31+$0xAF00] =	vst.add.f32.msk $0xffff, v1  }
0xd7: {  	[tilespmem:s31+$0xAF10] =	vst.add.f32.msk $0xffff, v2  }
0xd8: {  	[tilespmem:s31+$0xAF20] =	vst.add.f32.msk $0xffff, v3  }
0xd9: {  	[tilespmem:s31+$0xAF30] =	vst.add.f32.msk $0xffff, v4  }
0xda: {  	[tilespmem:s31+$0xAF40] =	vst.add.f32.msk $0xffff, v5  }
0xdb: {  	[tilespmem:s31+$0xAF50] =	vst.add.f32.msk $0xffff, v6  }
0xdc: {  	[tilespmem:s31+$0xAF60] =	vst.add.f32.msk $0xffff, v7  }
0xdd: {  	[tilespmem:s31+$0xAF70] =	vst.add.f32.msk $0xffff, v8  }
0xde: {  	[tilespmem:s31+$0xAF80] =	vst.add.f32.msk $0xffff, v9  }
0xdf: {  	[tilespmem:s31+$0xAF90] =	vst.add.f32.msk $0xffff, v10  }
0xe0: {  	[tilespmem:s31+$0xAFA0] =	vst.add.f32.msk $0xffff, v11  }
0xe1: {  	[tilespmem:s31+$0xAFB0] =	vst.add.f32.msk $0xffff, v12  }
0xe2: {  	[tilespmem:s31+$0xAFC0] =	vst.add.f32.msk $0xffff, v13  }
0xe3: {  	s1 =	simm.s32 $0x0;
	s0 =	simm.s32 $0x400;
	[tilespmem:s31+$0xAFD0] =	vst.add.f32.msk $0xffff, v14  }
.LBB2_7:
0xe4: {  	s1 =	sadd.s32 $0x4, s1;
	[tilespmem:s31+$0xAFE0] =	vst.add.f32.msk $0xffff, v0;
	s31 =	sshra.s32 s0, $0x2  }
0xe5: {  	v0 =	vld [tilespmem:s31+$0x19F0];
	p1 =	slt.u32 s1, $0xC4  }
0xe6: {  	v1 =	vld [tilespmem:s31+$0x1900]  }
0xe7: {  	v2 =	vld [tilespmem:s31+$0x1910]  }
0xe8: {  	v3 =	vld [tilespmem:s31+$0x1920]  }
0xe9: {  	v4 =	vld [tilespmem:s31+$0x1930]  }
0xea: {  	[tilespmem:s31+$0xAFF0] =	vst.add.f32.msk $0xffff, v0  }
0xeb: {  	v5 =	vld [tilespmem:s31+$0x1940]  }
0xec: {  	v6 =	vld [tilespmem:s31+$0x1950]  }
0xed: {  	v7 =	vld [tilespmem:s31+$0x1960]  }
0xee: {  	v8 =	vld [tilespmem:s31+$0x1970]  }
0xef: {  	v9 =	vld [tilespmem:s31+$0x1980]  }
0xf0: {  	v10 =	vld [tilespmem:s31+$0x1990]  }
0xf1: {  	v11 =	vld [tilespmem:s31+$0x19A0]  }
0xf2: {  	v12 =	vld [tilespmem:s31+$0x19B0]  }
0xf3: {  	v13 =	vld [tilespmem:s31+$0x19C0]  }
0xf4: {  	v14 =	vld [tilespmem:s31+$0x19D0]  }
0xf5: {  	v0 =	vld [tilespmem:s31+$0x19E0]  }
0xf6: {  	[tilespmem:s31+$0xAF00] =	vst.add.f32.msk $0xffff, v1  }
0xf7: {  	[tilespmem:s31+$0xAF10] =	vst.add.f32.msk $0xffff, v2  }
0xf8: {  	[tilespmem:s31+$0xAF20] =	vst.add.f32.msk $0xffff, v3  }
0xf9: {  	[tilespmem:s31+$0xAF30] =	vst.add.f32.msk $0xffff, v4  }
0xfa: {  	[tilespmem:s31+$0xAF40] =	vst.add.f32.msk $0xffff, v5  }
0xfb: {  	[tilespmem:s31+$0xAF50] =	vst.add.f32.msk $0xffff, v6  }
0xfc: {  	[tilespmem:s31+$0xAF60] =	vst.add.f32.msk $0xffff, v7  }
0xfd: {  	[tilespmem:s31+$0xAF70] =	vst.add.f32.msk $0xffff, v8  }
0xfe: {  	[tilespmem:s31+$0xAF80] =	vst.add.f32.msk $0xffff, v9  }
.Ltmp4:
0xff: {  	[tilespmem:s31+$0xAF90] =	vst.add.f32.msk $0xffff, v10;
	(pc) =	sbr.rel @p1 .LBB2_7-.Ltmp4, $4  }
0x100: {  	[tilespmem:s31+$0xAFA0] =	vst.add.f32.msk $0xffff, v11  }
0x101: {  	[tilespmem:s31+$0xAFB0] =	vst.add.f32.msk $0xffff, v12  }
0x102: {  	[tilespmem:s31+$0xAFC0] =	vst.add.f32.msk $0xffff, v13  }
0x103: {  	s0 =	sadd.s32 $0x400, s0;
	[tilespmem:s31+$0xAFD0] =	vst.add.f32.msk $0xffff, v14  }
0x104: {  	[tilespmem:s31+$0xAFE0] =	vst.add.f32.msk $0xffff, v0;
	s0 =	sadd.s32 $0xC80, s30  }
0x105: {  	[hbm4b:s0+s3] =	stream.linear.scatter [tilespmem:s15], [sflag:$0x7], $0x3200, $0x38;
	[tilespmem:$0x11300] =	vst v63  }
0x106: {  	s0 =	simm.s32 @!p0 $0x7  }
0x107: {  	_ =	swait.ge @!p0 [sflag:s0], $0x3200  }
0x108: {  	s1 =	simm.s32 @!p0 $0xC8;
	[sflag:s0] =	ssyncset.done @!p0 $0x0  }
0x109: {  	[sflag:s0] =	ssyncadd.s32 @!p0 $0xFFFFCE00;
	s0 =	sadd.s32 @!p0 $0x4B0, s29;
	s29 =	simm.s32 @!p0 $0xAF00  }
0x10a: {  	[tilespmem:s29], [sflag:$0x3] =	stream.indirect.gather @!p0 [hbm4b:s5+s1], $0x40, s0, s1, $0xb8;
	[tilespmem:$0x11300] =	vst v63  }
0x10b: {  	_ =	swait.ge [sflag:s21], $0x3200  }
0x10c: {  	[sflag:s21] =	ssyncset.done $0x0  }
0x10d: {  	s29 =	simm.s32 $0x0;
	[sflag:s21] =	ssyncadd.s32 $0xFFFFCE00  }
0x10e: {  	v0 =	vld [tilespmem:s29+$0x19F0]  }
0x10f: {  	v1 =	vld [tilespmem:s29+$0x1900]  }
0x110: {  	v2 =	vld [tilespmem:s29+$0x1910]  }
0x111: {  	v3 =	vld [tilespmem:s29+$0x1920]  }
0x112: {  	v4 =	vld [tilespmem:s29+$0x1930]  }
0x113: {  	v5 =	vld [tilespmem:s29+$0x1940]  }
0x114: {  	v6 =	vld [tilespmem:s29+$0x1950]  }
0x115: {  	v7 =	vld [tilespmem:s29+$0x1960]  }
0x116: {  	v8 =	vld [tilespmem:s29+$0x1970]  }
0x117: {  	v9 =	vld [tilespmem:s29+$0x1980]  }
0x118: {  	v10 =	vld [tilespmem:s29+$0x1990]  }
0x119: {  	v11 =	vld [tilespmem:s29+$0x19A0]  }
0x11a: {  	v12 =	vld [tilespmem:s29+$0x19B0]  }
0x11b: {  	v13 =	vld [tilespmem:s29+$0x19C0]  }
0x11c: {  	v14 =	vld [tilespmem:s29+$0x19D0]  }
0x11d: {  	[tilespmem:s29+$0xE1F0] =	vst.add.f32.msk $0xffff, v0  }
0x11e: {  	v0 =	vld [tilespmem:s29+$0x19E0]  }
0x11f: {  	[tilespmem:s29+$0xE100] =	vst.add.f32.msk $0xffff, v1  }
0x120: {  	[tilespmem:s29+$0xE110] =	vst.add.f32.msk $0xffff, v2  }
0x121: {  	[tilespmem:s29+$0xE120] =	vst.add.f32.msk $0xffff, v3  }
0x122: {  	[tilespmem:s29+$0xE130] =	vst.add.f32.msk $0xffff, v4  }
0x123: {  	[tilespmem:s29+$0xE140] =	vst.add.f32.msk $0xffff, v5  }
0x124: {  	[tilespmem:s29+$0xE150] =	vst.add.f32.msk $0xffff, v6  }
0x125: {  	[tilespmem:s29+$0xE160] =	vst.add.f32.msk $0xffff, v7  }
0x126: {  	[tilespmem:s29+$0xE170] =	vst.add.f32.msk $0xffff, v8  }
0x127: {  	[tilespmem:s29+$0xE180] =	vst.add.f32.msk $0xffff, v9  }
0x128: {  	[tilespmem:s29+$0xE190] =	vst.add.f32.msk $0xffff, v10  }
0x129: {  	[tilespmem:s29+$0xE1A0] =	vst.add.f32.msk $0xffff, v11  }
0x12a: {  	[tilespmem:s29+$0xE1B0] =	vst.add.f32.msk $0xffff, v12  }
0x12b: {  	[tilespmem:s29+$0xE1C0] =	vst.add.f32.msk $0xffff, v13  }
0x12c: {  	s1 =	simm.s32 $0x0;
	s0 =	simm.s32 $0x400;
	[tilespmem:s29+$0xE1D0] =	vst.add.f32.msk $0xffff, v14  }
.LBB2_9:
0x12d: {  	s1 =	sadd.s32 $0x4, s1;
	[tilespmem:s29+$0xE1E0] =	vst.add.f32.msk $0xffff, v0;
	s29 =	sshra.s32 s0, $0x2  }
0x12e: {  	v0 =	vld [tilespmem:s29+$0x19F0];
	p1 =	slt.u32 s1, $0xC4  }
0x12f: {  	v1 =	vld [tilespmem:s29+$0x1900]  }
0x130: {  	v2 =	vld [tilespmem:s29+$0x1910]  }
0x131: {  	v3 =	vld [tilespmem:s29+$0x1920]  }
0x132: {  	v4 =	vld [tilespmem:s29+$0x1930]  }
0x133: {  	[tilespmem:s29+$0xE1F0] =	vst.add.f32.msk $0xffff, v0  }
0x134: {  	v5 =	vld [tilespmem:s29+$0x1940]  }
0x135: {  	v6 =	vld [tilespmem:s29+$0x1950]  }
0x136: {  	v7 =	vld [tilespmem:s29+$0x1960]  }
0x137: {  	v8 =	vld [tilespmem:s29+$0x1970]  }
0x138: {  	v9 =	vld [tilespmem:s29+$0x1980]  }
0x139: {  	v10 =	vld [tilespmem:s29+$0x1990]  }
0x13a: {  	v11 =	vld [tilespmem:s29+$0x19A0]  }
0x13b: {  	v12 =	vld [tilespmem:s29+$0x19B0]  }
0x13c: {  	v13 =	vld [tilespmem:s29+$0x19C0]  }
0x13d: {  	v14 =	vld [tilespmem:s29+$0x19D0]  }
0x13e: {  	v0 =	vld [tilespmem:s29+$0x19E0]  }
0x13f: {  	[tilespmem:s29+$0xE100] =	vst.add.f32.msk $0xffff, v1  }
0x140: {  	[tilespmem:s29+$0xE110] =	vst.add.f32.msk $0xffff, v2  }
0x141: {  	[tilespmem:s29+$0xE120] =	vst.add.f32.msk $0xffff, v3  }
0x142: {  	[tilespmem:s29+$0xE130] =	vst.add.f32.msk $0xffff, v4  }
0x143: {  	[tilespmem:s29+$0xE140] =	vst.add.f32.msk $0xffff, v5  }
0x144: {  	[tilespmem:s29+$0xE150] =	vst.add.f32.msk $0xffff, v6  }
0x145: {  	[tilespmem:s29+$0xE160] =	vst.add.f32.msk $0xffff, v7  }
0x146: {  	[tilespmem:s29+$0xE170] =	vst.add.f32.msk $0xffff, v8  }
0x147: {  	[tilespmem:s29+$0xE180] =	vst.add.f32.msk $0xffff, v9  }
.Ltmp5:
0x148: {  	[tilespmem:s29+$0xE190] =	vst.add.f32.msk $0xffff, v10;
	(pc) =	sbr.rel @p1 .LBB2_9-.Ltmp5, $4  }
0x149: {  	[tilespmem:s29+$0xE1A0] =	vst.add.f32.msk $0xffff, v11  }
0x14a: {  	[tilespmem:s29+$0xE1B0] =	vst.add.f32.msk $0xffff, v12  }
0x14b: {  	[tilespmem:s29+$0xE1C0] =	vst.add.f32.msk $0xffff, v13  }
0x14c: {  	s0 =	sadd.s32 $0x400, s0;
	[tilespmem:s29+$0xE1D0] =	vst.add.f32.msk $0xffff, v14  }
.Ltmp6:
0x14d: {  	(pc) =	sbr.rel @p0 .LBB2_12-.Ltmp6, $3  }
0x14e: {  	_ =	sdelay $0x1  }
0x14f: {  	[tilespmem:s29+$0xE1E0] =	vst.add.f32.msk $0xffff, v0;
	s0 =	sadd.s32 $0x12C0, s30  }
0x150: {  	[hbm4b:s0+s3] =	stream.linear.scatter [tilespmem:s17], [sflag:$0x8], $0x3200, $0x38;
	[tilespmem:$0x11300] =	vst v63  }
0x151: {  	s0 =	smul.u32 $0xC80, s28  }
.Ltmp7:
0x152: {  	_ = 	snop;
	(pc) =	sbr.rel .LBB2_2-.Ltmp7, $4  }
0x153: {  	_ =	swait.ge [sflag:s25], $0x3200  }
0x154: {  	[sflag:s25] =	ssyncset.done $0x0;
	s0 =	sshra.s32 s0, $0x2  }
0x155: {  	s28 =	sadd.s32 $0x1, s28;
	[sflag:s25] =	ssyncadd.s32 $0xFFFFCE00;
	s0 =	sadd.s32 $0x578, s0  }
0x156: {  	[tilespmem:s17], [sflag:$0x4] =	stream.indirect.gather [hbm4b:s5+s11], $0x40, s0, s11, $0xb8;
	[tilespmem:$0x11300] =	vst v63  }
.LBB2_13:
0x157: {  	_ =	sfence.sel $0x180000  }
0x158: {  	[bflag:$0x0] =	sbarrier.arrive $0xFFFF  }
0x159: {  	_ =	strace $0x90000047  }
0x15a: {  	s0 =	stileid.u32;
	[bflag:$0x2] =	sbarrier.arrive $0xFFFF  }
0x15b: {  	p0 =	sne.s32 s0, $0x0;
	s0 =	rddreg [dreg:$0x2]  }
0x15c: {  	s0 =	sadd.s32 @!p0 $0x100000, s0  }
0x15d: {  	[sflag:s0] =	ssyncadd.tile.s32 @!p0 $0x1;
	_ =	shalt  }
.Lfunc_end2:
_tile_overlayer_lowered:
.L_overlay_start_2:
0x15e: {  	(tag) =	ssettag $0x2  }
0x15f: {  	s0 =	rddreg [dreg:$0x0];
	s2 =	stileid.u32  }
0x160: {  	s1 =	rddreg [dreg:$0x1];
	p0 =	sne.s32 s2, $0x0  }
0x161: {  	s3 =	rddreg [dreg:$0x2];
	[bflag:$0x3] =	sbarrier.arrive $0xFFFF;
	s2 =	simm.s32 @!p0 $0x1C09  }
0x162: {  	[timem:s3], [sflag:s2] =	dma.local @!p0 [hbm:s0], s1  }
0x163: {  	s0 =	simm.s32 @!p0 $0x9  }
0x164: {  	_ =	swait.ge @!p0 [sflag:s0], s1  }
0x165: {  	s1 =	ssub.s32 @!p0 $0x0, s1;
	[sflag:s0] =	ssyncset.done @!p0 $0x0  }
0x166: {  	[sflag:s0] =	ssyncadd.s32 @!p0 s1  }
0x167: {  	[bflag:$0x3] =	sbarrier.arrive $0xFFFF  }
0x168: {  	_ =	shalt  }

// kernel: sparse-core-data-format-call.cloned.1.call-start
scs
called_computation_lowered:
.L_overlay_start_0:
0x0: {  	s2 =	sld [smem:$0x3FD9]  }
0x1: {  	s3 =	sld [smem:$0x3FFE];
	_ =	sdelay $0x1  }
0x2: {  	s1 =	srdreg.scid  }
0x3: {  	s0 =	sand.u32 $0x1, s1  }
0x4: {  	s18 =	sshll.u32 s0, $0xA;
	s2 =	sadd.s32 s3, s2  }
0x5: {  	s2 =	sadd.s32 s2, s18  }
0x6: {  	[smem:$0x3FC6] =	sst s2  }
0x7: {  	_ = 	snop  }
0x8: {  	s2 =	sld [smem:$0x3FD0];
	(tm) =	ssettm $0x1  }
0x9: {  	s19 =	sld [smem:$0x3FFB];
	_ =	sdelay $0x3  }
0xa: {  	_ =	strace s19  }
0xb: {  	s3 =	sld [smem:$0x3FFC];
	_ =	sdelay $0x3  }
0xc: {  	_ =	strace s3  }
0xd: {  	s3 =	sld [smem:$0x3FFD];
	_ =	sdelay $0x3  }
0xe: {  	_ =	strace s3  }
0xf: {  	_ =	strace $0x8FFFFFFF  }
0x10: {  	s20 =	sld [smem:$0x3FDB];
	_ =	sdelay $0x1  }
0x11: {  	s4 =	simm.s32 $_scs_section_size  }
0x12: {  	s5 =	simm.s32 $_size__tile_overlayer_lowered;
	s6 =	simm.s32 $_tile_overlayer_lowered  }
0x13: {  	s23 =	simm.s32 $0x1BFF;
	s22 =	sshll.u32 s6, $0x1;
	s3 =	sadd.s32 s4, s20  }
0x14: {  	s7 =	simm.s32 $0x0;
	s21 =	sshll.u32 s5, $0x1;
	s5 =	sadd.s32 s22, s3  }
0x15: {  	[timem:s7], [sflag:s23] =	dma.local [hbm:s5], s21  }
0x16: {  	_ =	swait.ge [sflag:s23], s21  }
0x17: {  	s4 =	ssub.s32 $0x0, s21;
	[sflag:s23] =	ssyncset.done $0x0  }
0x18: {  	[sflag:s23] =	ssyncadd.s32 s4;
	_ =	sdelay $0x1  }
0x19: {  	s24 =	simm.s32 $0x1B8B  }
0x1a: {  	_ =	swait.ge [sflag:s24], $0x1  }
0x1b: {  	[sflag:s24] =	ssyncset.done $0x0  }
0x1c: {  	s26 =	simm.s32 $0x1B8E;
	s25 =	sld [smem:$0x3FFE];
	[sflag:s24] =	ssyncadd.s32 $0xFFFFFFFF  }
0x1d: {  	s27 =	simm.s32 $execute0_lowered;
	[smem:$0x3FD2] =	sst s26  }
0x1e: {  	s5 =	sshll.u32 s27, $0x1;
	_ =	strace $0x80000049;
	[dreg:$0x1] =	wrdreg $0xFFFFFFFF  }
0x1f: {  	s28 =	simm.s32 $_size_execute0_lowered;
	s3 =	sadd.s32 s3, s5;
	[dreg:$0x0] =	wrdreg $0x0  }
0x20: {  	s5 =	sshll.u32 s28, $0x1;
	[dreg:$0x2] =	wrdreg s3  }
0x21: {  	[dreg:$0x3] =	wrdreg s5  }
0x22: {  	[dreg:$0x4] =	wrdreg $0xC0  }
0x23: {  	_ =	task [dreg:s7], $0x5FFFF  }
0x24: {  	[dreg:$0x1] =	wrdreg $0xFFFFFFFF  }
0x25: {  	[dreg:$0x0] =	wrdreg $0x60  }
0x26: {  	[dreg:$0x2] =	wrdreg s25  }
0x27: {  	[dreg:$0x3] =	wrdreg s2  }
0x28: {  	[dreg:$0x4] =	wrdreg $0x9  }
0x29: {  	_ =	task.clear_ibuf [dreg:s7], $0x5FFFF;
	_ =	strace $0x90000049  }
0x2a: {  	s29 =	simm.s32 $0x9;
	_ =	strace $0x8000004B  }
0x2b: {  	_ =	swait.ge [sflag:s29], $0x1  }
0x2c: {  	[sflag:s29] =	ssyncadd.s32 $0xFFFFFFFF  }
0x2d: {  	_ =	strace $0x9000004B  }
0x2e: {  	_ =	sfence  }
0x2f: {  	s30 =	sld [smem:$0x0];
	_ =	sdelay $0x2  }
0x30: {  	s31 =	sshll.u32 s1, $0xD;
	s1 =	sshrl.u32 s1, $0x2  }
0x31: {  	s3 =	sand.u32 $0x4000, s31;
	s1 =	sadd.s32 s1, s30  }
0x32: {  	s0 =	sor.u32 s3, s0;
	s1 =	sshll.u32 s1, $0x11  }
0x33: {  	s0 =	sor.u32 s1, s0  }
0x34: {  	s0 =	sadd.s32 $0x8F2B, s0  }
0x35: {  	[sflag:s0] =	ssyncadd.remote.s32 $0x1  }
0x36: {  	_ =	sfence.sel $0xFFFF  }
0x37: {  	[dreg:$0x0] =	wrdreg $0xFFFFFFFF;
	(pc) =	sbr.abs _section_cstart, $3  }
0x38: {  	[dreg:$0x1] =	wrdreg $0xFFFFFFFF  }
0x39: {  	_ =	task.clear_ibuf [dreg:s7], $0x2FFFF;
	_ =	strace $0x9FFFFFFF  }
0x3a: {  	(tm) =	ssettm $0x7FFFFFFF  }
0x3b: {  	_ =	shalt  }
tec
execute0_lowered:
.L_overlay_start_1:
0x0: {  	(tag) =	ssettag $0x1  }
0x1: {  	s0 =	stileid.u32;
	s6 =	rddreg [dreg:$0x0]  }
0x2: {  	s2 =	rddreg [dreg:$0x1];
	s5 =	srdreg.scid  }
0x3: {  	s31 =	simm.s32 $0x2;
	s13 =	simm.s32 $0x0;
	s1 =	sshll.u32 s0, $0x7  }
0x4: {  	s14 =	simm.s32 $0x0;
	s12 =	simm.s32 $0x0;
	s3 =	sand.u32 $0x380, s1  }
0x5: {  	s5 =	sshll.u32 s5, $0x4;
	s6 =	sadd.s32 $0x200, s6;
	s4 =	ssub.s32 $0x400, s3  }
0x6: {  	s1 =	rddreg [dreg:$0x2];
	_ =	strace $0x8000004A;
	s7 =	sand.u32 $0x380, s4  }
0x7: {  	s5 =	sand.u32 $0x10, s5;
	p0 =	sne.s32 s7, $0x0;
	s7 =	simm.s32 $0x1  }
.Ltmp0:
0x8: {  	s8 =	sshrl.u32 s4, $0xA;
	s7 =	simm.s32 @!p0 $0x0;
	(pc) =	sbr.rel .LBB1_1-.Ltmp0, $4  }
0x9: {  	s9 =	sor.u32 s0, s5;
	s4 =	simm.s32 $0x1;
	s30 =	sadd.s32 s7, s8  }
0xa: {  	s11 =	smov.u32 s3;
	[sflag:s4] =	ssyncpa.u1 $0x0;
	s5 =	smul.u32 $0x32, s30  }
0xb: {  	[sflag:s31] =	ssyncpa.u1 $0x0;
	p0 =	por $0x0, $0x0;
	s7 =	sshrl.u32 s9, $0x3  }
0xc: {  	s9 =	simm.s32 $0x2000;
	s10 =	smov.u32 s7;
	s8 =	sor.u32 $0x1, s5  }
.LBB1_4:
0xd: {  	s17 =	sand.u32 $0x1F80, s14;
	s13 =	sshll.u32 s13, $0xD  }
0xe: {  	[tilespmem:s16+$0x810 ss:$0x81] =	vst.msk $0xffff, v2;
	s18 =	sshrl.u32 s14, $0x3;
	s31 =	sand.u32 $0x7, s14;
	s17 =	sadd.s32 s2, s17  }
0xf: {  	[tilespmem:s16+$0x1020 ss:$0x81] =	vst.msk $0xffff, v0;
	s18 =	sand.u32 $0xF, s18;
	s14 =	sshll.u32 s31, $0x12;
	s13 =	sadd.s32 s13, s17  }
0x10: {  	[tilespmem:s16+$0x0 ss:$0x81] =	vst.msk $0xffff, v1;
	s14 =	sor.u32 $0x400, s14;
	s13 =	sadd.s32 s18, s13  }
0x11: {  	[hbm4b:s13+s14] =	stream.strided.scatter [tilespmem:s15], [sflag:$0x2], $0x2000, s9, s14, $0x20;
	[tilespmem:$0x8080] =	vst v63  }
.LBB1_5:
0x12: {  	s15 =	sadd.s32 $0x4, s10  }
0x13: {  	s13 =	sadd.s32 $0x400, s11;
	s17 =	smov.u32 s11;
	p2 =	sgt.s32 s15, $0xC7  }
0x14: {  	s17 =	smov.u32 @p2 s13  }
0x15: {  	s15 =	smov.u32 @p2 s7;
	p2 =	sgt.s32 s17, $0x3FF  }
0x16: {  	s17 =	smov.u32 @p2 s3;
	p2 =	sne.s32 s12, s8  }
.Ltmp1:
0x17: {  	p1 =	slt.u32 s12, $0x2;
	(pc) =	sbr.rel @!p2 .LBB1_6-.Ltmp1, $4  }
0x18: {  	s16 =	simm.s32 @!p1 $0x2  }
0x19: {  	s14 =	smov.u32 s11;
	p0 =	por !p0, !p0;
	_ =	swait.ge @!p1 [sflag:s16], $0x2000  }
0x1a: {  	s13 =	smov.u32 s10;
	[sflag:s16] =	ssyncset.done @!p1 $0x0;
	s10 =	smov.u32 s15  }
0x1b: {  	s12 =	sadd.s32 $0x1, s12;
	[sflag:s16] =	ssyncadd.s32 @!p1 $0xFFFFE000;
	s11 =	smov.u32 s17  }
.LBB1_1:
0x1c: {  	p1 =	sge.u32 s12, s5  }
0x1d: {  	s15 =	sand.u32 @!p1 $0x1FFFFFF, s10  }
0x1e: {  	s16 =	smulhi.u32 @!p1 $0x147AE15, s15;
	_ =	sdelay $0x1  }
0x1f: {  	s16 =	smul.u32 @!p1 $0xC8, s16  }
0x20: {  	s17 =	sxor.u32 @!p1 $0xFFFFFFFF, s12;
	s18 =	smul.u32 @!p1 $0xC80, s11  }
0x21: {  	s31 =	sadd.s32 $0xFFFFFFFF, s12;
	s17 =	sshll.u32 @!p1 s17, $0xD;
	s15 =	ssub.s32 @!p1 s15, s16  }
0x22: {  	s16 =	sand.u32 @!p1 $0x2000, s17;
	s17 =	sadd.s32 @!p1 s6, s18;
	s15 =	sshll.u32 @!p1 s15, $0x4  }
0x23: {  	s18 =	simm.s32 @!p1 $0x6400;
	s15 =	sadd.s32 @!p1 s15, s17;
	s17 =	simm.s32 @!p1 $0x40  }
0x24: {  	[tilespmem:s16], [sflag:$0x1] =	stream.strided.gather @!p1 [hbm4b:s15+s17], $0x2000, s18, s17, $0x38;
	[tilespmem:$0x8080] =	vst v63  }
0x25: {  	p1 =	sge.u32 s31, s5  }
.Ltmp2:
0x26: {  	_ = 	snop;
	(pc) =	sbr.rel @p1 .LBB1_5-.Ltmp2, $1  }
0x27: {  	_ =	sdelay $0x3  }
0x28: {  	s15 =	simm.s32 $0x1  }
0x29: {  	_ =	swait.ge [sflag:s4], $0x2000;
	s15 =	simm.s32 @!p0 $0x0  }
0x2a: {  	[sflag:s4] =	ssyncset.done $0x0;
	s16 =	sshll.u32 s15, $0xD  }
0x2b: {  	[sflag:s4] =	ssyncadd.s32 $0xFFFFE000;
	s19 =	sor.u32 $0x20, s16  }
0x2c: {  	s15 =	smul.u32 $0x8100, s15;
	v3 =	vld [tilespmem:s19+$0x10]  }
0x2d: {  	s30 =	sand.u32 $0x1, s12;
	v2 =	vld [tilespmem:s19+$0xFFFFFFF0]  }
0x2e: {  	s16 =	smul.u32 $0x8100, s30;
	s15 =	sshrl.u32 s15, $0x2;
	v0 =	vld [tilespmem:s19+$0x0]  }
0x2f: {  	v1 =	vld [tilespmem:s19+$0xFFFFFFE0];
	s17 =	sor.u32 $0x4000, s15  }
0x30: {  	s31 =	sshrl.u32 s16, $0x2;
	s16 =	sadd.s32 $0x0, s17  }
0x31: {  	s18 =	simm.s32 $0x4;
	s19 =	sadd.s32 $0x40, s19;
	s15 =	sor.u32 $0x4000, s31;
	[tilespmem:s16+$0x1830 ss:$0x81] =	vst.msk $0xffff, v3  }
.LBB1_3:
0x32: {  	v3 =	vld [tilespmem:s19+$0x10];
	p1 =	sne.s32 s18, $0x1FC;
	[tilespmem:s16+$0x810 ss:$0x81] =	vst.msk $0xffff, v2;
	s20 =	smov.u32 s18;
	s18 =	sadd.s32 $0x4, s18  }
.Ltmp3:
0x33: {  	v2 =	vld [tilespmem:s19+$0xFFFFFFF0];
	[tilespmem:s16+$0x1020 ss:$0x81] =	vst.msk $0xffff, v0;
	(pc) =	sbr.rel @p1 .LBB1_3-.Ltmp3, $4  }
0x34: {  	v0 =	vld [tilespmem:s19+$0x0];
	[tilespmem:s16+$0x0 ss:$0x81] =	vst.msk $0xffff, v1  }
0x35: {  	s16 =	sshra.s32 s20, $0x2;
	v1 =	vld [tilespmem:s19+$0xFFFFFFE0]  }
0x36: {  	s16 =	sadd.s32 s16, s17  }
0x37: {  	s19 =	sadd.s32 $0x40, s19;
	[tilespmem:s16+$0x1830 ss:$0x81] =	vst.msk $0xffff, v3  }
.Ltmp4:
0x38: {  	_ = 	snop;
	(pc) =	sbr.rel .LBB1_4-.Ltmp4, $1  }
0x39: {  	_ =	sdelay $0x3  }
.LBB1_6:
0x3a: {  	_ =	sfence.sel $0x180000  }
0x3b: {  	s2 =	simm.s32 $0x1;
	[bflag:$0x0] =	sbarrier.arrive $0xFFFF  }
0x3c: {  	s31 =	simm.s32 $0x2;
	[sflag:s2] =	ssyncpa.u1 $0x1  }
0x3d: {  	[sflag:s31] =	ssyncpa.u1 $0x1  }
0x3e: {  	p0 =	sne.s32 s0, $0x0;
	_ =	strace $0x9000004A  }
0x3f: {  	s0 =	sadd.s32 @!p0 $0x100000, s1;
	[bflag:$0x2] =	sbarrier.arrive $0xFFFF  }
0x40: {  	[sflag:s0] =	ssyncadd.tile.s32 @!p0 $0x1;
	_ =	shalt  }
.Lfunc_end1:
_tile_overlayer_lowered:
.L_overlay_start_2:
0x41: {  	(tag) =	ssettag $0x2  }
0x42: {  	s0 =	rddreg [dreg:$0x0];
	s2 =	stileid.u32  }
0x43: {  	s1 =	rddreg [dreg:$0x1];
	p0 =	sne.s32 s2, $0x0  }
0x44: {  	s3 =	rddreg [dreg:$0x2];
	[bflag:$0x3] =	sbarrier.arrive $0xFFFF;
	s2 =	simm.s32 @!p0 $0x1C01  }
0x45: {  	[timem:s3], [sflag:s2] =	dma.local @!p0 [hbm:s0], s1  }
0x46: {  	s0 =	simm.s32 @!p0 $0x1  }
0x47: {  	_ =	swait.ge @!p0 [sflag:s0], s1  }
0x48: {  	s1 =	ssub.s32 @!p0 $0x0, s1;
	[sflag:s0] =	ssyncset.done @!p0 $0x0  }
0x49: {  	[sflag:s0] =	ssyncadd.s32 @!p0 s1  }
0x4a: {  	[bflag:$0x3] =	sbarrier.arrive $0xFFFF  }
0x4b: {  	_ =	shalt  }

</sc_bundles>
